<compile_context>
chip_gen: v7x
topology: tpu7x:2x2x1
jax: 0.10.2.dev20260603
libtpu: 0.0.44.dev20260713+nightly
codegen_flags: <defaults>
</compile_context>

<pallas_src>
import functools

import numpy as np
import jax
import jax.numpy as jnp
from jax import lax
from jax.experimental import pallas as pl
from jax.experimental.pallas import tpu as pltpu
from jax.experimental.pallas import tpu_sc as plsc

_B = 4
_N = 16384
_C = 6
_G = 512
_K = 32
_BIG = np.float32(1e10)
_HUGE = np.float32(1e30)
_IMAX = np.int32(2**31 - 1)
_NC = 4096
_NH = _NC // 2
_NCHUNKS = _N // _NC
_NCAND = _NCHUNKS * _K


def _fps_body(len_ref, x_ref, y_ref, z_ref, cen_ref):
    X = x_ref[...]
    Y = y_ref[...]
    Z = z_ref[...]
    rows = lax.broadcasted_iota(jnp.int32, (_B, 128, 128), 1)
    cols = lax.broadcasted_iota(jnp.int32, (_B, 128, 128), 2)
    lin = rows * 128 + cols
    bidx = lax.broadcasted_iota(jnp.int32, (_B, 1, 1), 0)
    Lv = jnp.zeros((_B, 1, 1), jnp.int32)
    for bb in range(_B):
        Lv = jnp.where(bidx == bb, len_ref[bb], Lv)
    valid = lin < Lv

    cx0 = X[:, 0:1, 0:1]
    cy0 = Y[:, 0:1, 0:1]
    cz0 = Z[:, 0:1, 0:1]
    cen_ref[:, 0:1, :] = jnp.concatenate([cx0, cy0, cz0], axis=2)
    dmin0 = jnp.where(valid, _BIG, -_BIG)

    def fps_step(i, st):
        dmin, cx, cy, cz = st
        d = (X - cx) ** 2 + (Y - cy) ** 2 + (Z - cz) ** 2
        d = jnp.where(valid, d, -_BIG)
        dmin = jnp.minimum(dmin, d)
        m = jnp.max(dmin, axis=(1, 2), keepdims=True)
        sel = jnp.min(jnp.where(dmin == m, lin, _IMAX), axis=(1, 2),
                      keepdims=True)
        onehot = lin == sel
        zf = np.float32(0.0)
        ncx = jnp.sum(jnp.where(onehot, X, zf), axis=(1, 2), keepdims=True)
        ncy = jnp.sum(jnp.where(onehot, Y, zf), axis=(1, 2), keepdims=True)
        ncz = jnp.sum(jnp.where(onehot, Z, zf), axis=(1, 2), keepdims=True)
        cen_ref[:, pl.ds(i, 1), :] = jnp.concatenate([ncx, ncy, ncz], axis=2)
        return (dmin, ncx, ncy, ncz)

    lax.fori_loop(1, _G, fps_step, (dmin0, cx0, cy0, cz0), unroll=False)


def _knn_body(len_ref, xt_ref, cen_ref, idx_ref, m_ref, i_ref, ld_ref, li_ref,
              cd_ref, ci_ref):
    b = pl.program_id(0)
    L = len_ref[b]
    ccx = cen_ref[0, :, 0:1]
    ccy = cen_ref[0, :, 1:2]
    ccz = cen_ref[0, :, 2:3]
    gbase = b * _N
    slot_iota = lax.broadcasted_iota(jnp.int32, (1, _NCAND), 1)

    def chunk_body(k, _):
        xa = xt_ref[0, 0:1, pl.ds(k * _NC, _NH)]
        ya = xt_ref[0, 1:2, pl.ds(k * _NC, _NH)]
        za = xt_ref[0, 2:3, pl.ds(k * _NC, _NH)]
        xb = xt_ref[0, 0:1, pl.ds(k * _NC + _NH, _NH)]
        yb = xt_ref[0, 1:2, pl.ds(k * _NC + _NH, _NH)]
        zb = xt_ref[0, 2:3, pl.ds(k * _NC + _NH, _NH)]
        lina = gbase + k * _NC + lax.broadcasted_iota(jnp.int32, (1, _NH), 1)
        linb = lina + _NH
        vlim = gbase + L
        Da = (ccx - xa) ** 2 + (ccy - ya) ** 2 + (ccz - za) ** 2
        Da = jnp.where(lina < vlim, Da, _BIG)
        Db = (ccx - xb) ** 2 + (ccy - yb) ** 2 + (ccz - zb) ** 2
        Db = jnp.where(linb < vlim, Db, _BIG)
        ltb = Db < Da
        m_ref[...] = jnp.where(ltb, Db, Da)
        i_ref[...] = jnp.where(ltb, linb, lina)
        ld_ref[...] = jnp.where(ltb, Da, Db)
        li_ref[...] = jnp.where(ltb, lina, linb)

        def ext(t, _):
            Mv = m_ref[...]
            Iv = i_ref[...]
            m = jnp.min(Mv, axis=1, keepdims=True)
            eq = Mv == m
            sel = jnp.min(jnp.where(eq, Iv, _IMAX), axis=1, keepdims=True)
            msk = Iv == sel
            m_ref[...] = jnp.where(msk, ld_ref[...], Mv)
            i_ref[...] = jnp.where(msk, li_ref[...], Iv)
            ld_ref[...] = jnp.where(msk, _HUGE, ld_ref[...])
            oh = slot_iota == (k * _K + t)
            cd_ref[...] = jnp.where(oh, m, cd_ref[...])
            ci_ref[...] = jnp.where(oh, sel, ci_ref[...])
            return 0

        lax.fori_loop(0, _K, ext, 0, unroll=False)
        return 0

    lax.fori_loop(0, _NCHUNKS, chunk_body, 0, unroll=False)

    idx_ref[0] = jnp.zeros((_G, _K), jnp.int32)
    koh = lax.broadcasted_iota(jnp.int32, (1, _K), 1)

    def mext(t, _):
        cd = cd_ref[...]
        ci = ci_ref[...]
        m = jnp.min(cd, axis=1, keepdims=True)
        eq = cd == m
        sel = jnp.min(jnp.where(eq, ci, _IMAX), axis=1, keepdims=True)
        cd_ref[...] = jnp.where(ci == sel, _HUGE, cd)
        idx_ref[0] = jnp.where(koh == t, sel, idx_ref[0])
        return 0

    lax.fori_loop(0, _K, mext, 0, unroll=False)


def _fps_knn(points, lengths):
    xyz = points[:, :, :3]
    Xp = xyz[:, :, 0].reshape(_B, 128, 128)
    Yp = xyz[:, :, 1].reshape(_B, 128, 128)
    Zp = xyz[:, :, 2].reshape(_B, 128, 128)
    xt = jnp.transpose(xyz, (0, 2, 1))
    lengths32 = lengths.astype(jnp.int32)

    cen = pl.pallas_call(
        _fps_body,
        in_specs=[
            pl.BlockSpec(memory_space=pltpu.SMEM),
            pl.BlockSpec((_B, 128, 128), lambda: (0, 0, 0)),
            pl.BlockSpec((_B, 128, 128), lambda: (0, 0, 0)),
            pl.BlockSpec((_B, 128, 128), lambda: (0, 0, 0)),
        ],
        out_specs=pl.BlockSpec((_B, _G, 3), lambda: (0, 0, 0)),
        out_shape=jax.ShapeDtypeStruct((_B, _G, 3), jnp.float32),
    )(lengths32, Xp, Yp, Zp)

    idx = pl.pallas_call(
        _knn_body,
        grid=(_B,),
        in_specs=[
            pl.BlockSpec(memory_space=pltpu.SMEM),
            pl.BlockSpec((1, 3, _N), lambda b: (b, 0, 0)),
            pl.BlockSpec((1, _G, 3), lambda b: (b, 0, 0)),
        ],
        out_specs=pl.BlockSpec((1, _G, _K), lambda b: (b, 0, 0)),
        out_shape=jax.ShapeDtypeStruct((_B, _G, _K), jnp.int32),
        scratch_shapes=[
            pltpu.VMEM((_G, _NH), jnp.float32),
            pltpu.VMEM((_G, _NH), jnp.int32),
            pltpu.VMEM((_G, _NH), jnp.float32),
            pltpu.VMEM((_G, _NH), jnp.int32),
            pltpu.VMEM((_G, _NCAND), jnp.float32),
            pltpu.VMEM((_G, _NCAND), jnp.int32),
        ],
    )(lengths32, xt, cen)
    return cen, idx


_NW = 32
_RPW = (_B * _G * _K) // _NW
_FPW = _RPW * _C
_GPW = _RPW // _K


def _gather_body(pts_hbm, idx_hbm, cen_hbm, out_hbm, tab_v, idx_v, cen_v, out_v):
    c = lax.axis_index("c")
    s = lax.axis_index("s")
    wid = s * 2 + c
    b = wid // (_NW // _B)

    pltpu.sync_copy(pts_hbm.at[pl.ds(b * _N * _C, _N * _C)], tab_v)
    pltpu.sync_copy(idx_hbm.at[pl.ds(wid * _RPW, _RPW)], idx_v)
    pltpu.sync_copy(cen_hbm.at[pl.ds(wid * _GPW * 3, _GPW * 3)], cen_v)

    tbase = b * (_N * _C)

    def sub_body(v, _):
        lane = lax.iota(jnp.int32, 16)
        pos = v * 16 + lane
        r = (pos * 43691) >> 18
        ch = pos - r * _C
        isxyz = -((ch - 3) >> 31)
        maskf = isxyz.astype(jnp.float32)
        chmin = ch * isxyz + 2 * (1 - isxyz)
        cidx = (r >> 5) * 3 + chmin
        gidx = plsc.load_gather(idx_v, [r])
        val = plsc.load_gather(tab_v, [gidx * _C + ch - tbase])
        sub = plsc.load_gather(cen_v, [cidx])
        out_v[pl.ds(v * 16, 16)] = val - sub * maskf
        return 0

    lax.fori_loop(0, _FPW // 16, sub_body, 0, unroll=False)
    pltpu.sync_copy(out_v, out_hbm.at[pl.ds(wid * _FPW, _FPW)])


def _gather_groups(points, idx, cen):
    ptsf = points.reshape(_B * _N * _C)
    idxf = idx.reshape(_B * _G * _K)
    cenf = cen.reshape(_B * _G * 3)

    mesh = plsc.VectorSubcoreMesh(core_axis_name="c", subcore_axis_name="s")
    k = functools.partial(
        pl.kernel,
        mesh=mesh,
        compiler_params=pltpu.CompilerParams(needs_layout_passes=False),
        out_type=jax.ShapeDtypeStruct((_B * _G * _K * _C,), jnp.float32),
        scratch_types=[
            pltpu.VMEM((_N * _C,), jnp.float32),
            pltpu.VMEM((_RPW,), jnp.int32),
            pltpu.VMEM((_GPW * 3,), jnp.float32),
            pltpu.VMEM((_FPW,), jnp.float32),
        ],
    )(_gather_body)
    out = k(ptsf, idxf, cenf)
    return out.reshape(_B, _G, _K, _C)


def kernel(points, lengths):
    cen, idx = _fps_knn(points.astype(jnp.float32), lengths)
    groups = _gather_groups(points, idx, cen)
    return groups, cen

# --- scband reference (transcript-rebuilt; emitter-appended) ---
"""Pipeline reference for scband-pointcloud-grouping-62268435857483 (READ-ONLY COPY).

The authoritative reference and input builder live on the scoring server;
editing this copy changes nothing except your own understanding.
"""

import jax, jax.numpy as jnp
import numpy as np

NUM_GROUPS = 512
GROUP_SIZE = 32
BIG = 1e10


def setup_inputs(seed: int = 0) -> dict:
    key = jax.random.key(seed)
    k1, k2 = jax.random.split(key)
    points = jax.random.normal(k1, (4, 16384, 6), dtype=jnp.float32)
    lengths = jax.random.randint(k2, (4,), 0, 16384).astype(jnp.int64)
    return {"points": points, "lengths": lengths}


def _sample_farthest_points(xyz, lengths, K):
    # xyz: (B, N, 3). Deterministic start at index 0 (stand-in for random_start_point).
    B, N, _ = xyz.shape
    valid = jnp.arange(N)[None, :] < lengths[:, None]
    start = jnp.zeros((B,), dtype=jnp.int32)
    idxs = jnp.zeros((B, K), dtype=jnp.int32).at[:, 0].set(start)
    dmin = jnp.where(valid, jnp.float32(BIG), jnp.float32(-BIG))

    def body(i, state):
        dmin, idxs, last = state
        last_pt = jnp.take_along_axis(xyz, last[:, None, None].astype(jnp.int32), axis=1)  # (B,1,3)
        d = jnp.sum((xyz - last_pt) ** 2, axis=-1)  # (B, N)
        d = jnp.where(valid, d, jnp.float32(-BIG))
        dmin = jnp.minimum(dmin, d)
        nxt = jnp.argmax(dmin, axis=-1).astype(jnp.int32)
        idxs = idxs.at[:, i].set(nxt)
        return (dmin, idxs, nxt)

    dmin, idxs, _ = jax.lax.fori_loop(1, K, body, (dmin, idxs, start))
    centers = jnp.take_along_axis(xyz, idxs[:, :, None], axis=1)  # (B, K, 3)
    return centers, idxs


def _knn_points(centers, xyz, lengths, K):
    # centers: (B, G, 3), xyz: (B, N, 3) -> idx (B, G, K) of K nearest points
    N = xyz.shape[1]
    d = jnp.sum((centers[:, :, None, :] - xyz[:, None, :, :]) ** 2, axis=-1)  # (B, G, N)
    valid = jnp.arange(N)[None, None, :] < lengths[:, None, None]
    d = jnp.where(valid, d, jnp.float32(BIG))
    _, idx = jax.lax.top_k(-d, K)
    return idx


def _knn_gather(points, idx):
    # points: (B, N, C), idx: (B, G, K) -> (B, G, K, C)
    B, G, K = idx.shape
    C = points.shape[-1]
    flat = idx.reshape(B, G * K)
    out = jnp.take_along_axis(points, flat[:, :, None], axis=1)
    return out.reshape(B, G, K, C)


def reference(points, lengths):
    xyz = points[:, :, :3].astype(jnp.float32)
    group_centers, _ = _sample_farthest_points(xyz, lengths, NUM_GROUPS)
    idx = _knn_points(group_centers, xyz, lengths, GROUP_SIZE)
    groups = _knn_gather(points, idx)
    groups = groups.at[:, :, :, :3].add(-group_centers[:, :, None, :])
    # group_radius is None -> no radius normalization; semantic_id is None
    return groups, group_centers

if __name__ == "__main__":
    import jax
    _d = setup_inputs()
    print(jax.jit(kernel)(*tuple(_d.values())))

</pallas_src>

<mosaic_0001>
#map = affine_map<(d0, d1) -> (0)>
module attributes {stable_mosaic.version = 14 : i64} {
  func.func @_gather_body(%arg0: i32, %arg1: i32, %arg2: memref<393216xf32, #tpu.memory_space<hbm>>, %arg3: memref<65536xi32, #tpu.memory_space<hbm>>, %arg4: memref<6144xf32, #tpu.memory_space<hbm>>, %arg5: memref<393216xf32, #tpu.memory_space<hbm>>, %arg6: memref<98304xf32, #tpu.memory_space<vmem>>, %arg7: memref<2048xi32, #tpu.memory_space<vmem>>, %arg8: memref<192xf32, #tpu.memory_space<vmem>>, %arg9: memref<12288xf32, #tpu.memory_space<vmem>>) attributes {dimension_semantics = [#tpu.dimension_semantics<core_parallel>, #tpu.dimension_semantics<subcore_parallel>], iteration_bounds = array<i64: 2, 16>, scalar_prefetch = 0 : i64, scratch_operands = 4 : i64, tpu.core_type = #tpu.core_type<sc_vector_subcore>, window_params = [{transform_indices = #map}, {transform_indices = #map}, {transform_indices = #map}, {transform_indices = #map}]} {
    %mul3A = arith.constant 2 : i32
    %mul3A_0 = arith.muli %arg1, %mul3A : i32
    %add3A = arith.addi %mul3A_0, %arg0 : i32
    %jit3A = arith.constant 8 : i32
    %div3A = arith.divsi %add3A, %jit3A : i32
    %sign3A = arith.constant 0 : i32
    %sign3A_1 = arith.cmpi sgt, %add3A, %sign3A : i32
    %sign3A_2 = arith.extui %sign3A_1 : i1 to i32
    %sign3A_3 = arith.constant 0 : i32
    %sign3A_4 = arith.cmpi slt, %add3A, %sign3A_3 : i32
    %sign3A_5 = arith.extui %sign3A_4 : i1 to i32
    %sign3A_6 = arith.subi %sign3A_2, %sign3A_5 : i32
    %sign3A_7 = arith.constant 0 : i32
    %sign3A_8 = arith.cmpi sgt, %jit3A, %sign3A_7 : i32
    %sign3A_9 = arith.extui %sign3A_8 : i1 to i32
    %sign3A_10 = arith.constant 0 : i32
    %sign3A_11 = arith.cmpi slt, %jit3A, %sign3A_10 : i32
    %sign3A_12 = arith.extui %sign3A_11 : i1 to i32
    %sign3A_13 = arith.subi %sign3A_9, %sign3A_12 : i32
    %ne3A = arith.cmpi ne, %sign3A_6, %sign3A_13 : i32
    %rem3A = arith.remsi %add3A, %jit3A : i32
    %ne3A_14 = arith.constant 0 : i32
    %ne3A_15 = arith.cmpi ne, %rem3A, %ne3A_14 : i32
    %and3A = arith.andi %ne3A, %ne3A_15 : i1
    %sub3A = arith.constant 1 : i32
    %sub3A_16 = arith.subi %div3A, %sub3A : i32
    %select_n3A = arith.select %and3A, %sub3A_16, %div3A : i32
    %mul3A_17 = arith.constant 16384 : i32
    %mul3A_18 = arith.muli %select_n3A, %mul3A_17 : i32
    %mul3A_19 = arith.constant 6 : i32
    %mul3A_20 = arith.muli %mul3A_18, %mul3A_19 : i32
    "tpu.region"() ({
      %run_scoped3A = tpu.sem_alloc : memref<!tpu.dma_semaphore, #tpu.memory_space<semaphore_mem>>
      %dma_start3A = tpu.memref_slice %arg2[%mul3A_20] : memref<393216xf32, #tpu.memory_space<hbm>> -> memref<98304xf32, #tpu.memory_space<hbm>>
      %dma_start3A_37 = tpu.memref_slice %arg2[%mul3A_20] : memref<393216xf32, #tpu.memory_space<hbm>> -> memref<98304xf32, #tpu.memory_space<hbm>>
      tpu.enqueue_dma source(%dma_start3A_37 : memref<98304xf32, #tpu.memory_space<hbm>>) target(%arg6 : memref<98304xf32, #tpu.memory_space<vmem>>) target_semaphore(%run_scoped3A : memref<!tpu.dma_semaphore, #tpu.memory_space<semaphore_mem>>)
      %dma_wait3A = tpu.memref_slice %arg2[%mul3A_20] : memref<393216xf32, #tpu.memory_space<hbm>> -> memref<98304xf32, #tpu.memory_space<hbm>>
      %dma_wait3A_38 = tpu.memref_slice %arg2[%mul3A_20] : memref<393216xf32, #tpu.memory_space<hbm>> -> memref<98304xf32, #tpu.memory_space<hbm>>
      tpu.wait_dma2 semaphore(%run_scoped3A : memref<!tpu.dma_semaphore, #tpu.memory_space<semaphore_mem>>) src(%dma_wait3A_38 : memref<98304xf32, #tpu.memory_space<hbm>>) dst(%arg6 : memref<98304xf32, #tpu.memory_space<vmem>>)
      tpu.yield
    }) : () -> ()
    %mul3A_21 = arith.constant 2048 : i32
    %mul3A_22 = arith.muli %add3A, %mul3A_21 : i32
    "tpu.region"() ({
      %run_scoped3A = tpu.sem_alloc : memref<!tpu.dma_semaphore, #tpu.memory_space<semaphore_mem>>
      %dma_start3A = tpu.memref_slice %arg3[%mul3A_22] : memref<65536xi32, #tpu.memory_space<hbm>> -> memref<2048xi32, #tpu.memory_space<hbm>>
      %dma_start3A_37 = tpu.memref_slice %arg3[%mul3A_22] : memref<65536xi32, #tpu.memory_space<hbm>> -> memref<2048xi32, #tpu.memory_space<hbm>>
      tpu.enqueue_dma source(%dma_start3A_37 : memref<2048xi32, #tpu.memory_space<hbm>>) target(%arg7 : memref<2048xi32, #tpu.memory_space<vmem>>) target_semaphore(%run_scoped3A : memref<!tpu.dma_semaphore, #tpu.memory_space<semaphore_mem>>)
      %dma_wait3A = tpu.memref_slice %arg3[%mul3A_22] : memref<65536xi32, #tpu.memory_space<hbm>> -> memref<2048xi32, #tpu.memory_space<hbm>>
      %dma_wait3A_38 = tpu.memref_slice %arg3[%mul3A_22] : memref<65536xi32, #tpu.memory_space<hbm>> -> memref<2048xi32, #tpu.memory_space<hbm>>
      tpu.wait_dma2 semaphore(%run_scoped3A : memref<!tpu.dma_semaphore, #tpu.memory_space<semaphore_mem>>) src(%dma_wait3A_38 : memref<2048xi32, #tpu.memory_space<hbm>>) dst(%arg7 : memref<2048xi32, #tpu.memory_space<vmem>>)
      tpu.yield
    }) : () -> ()
    %mul3A_23 = arith.constant 64 : i32
    %mul3A_24 = arith.muli %add3A, %mul3A_23 : i32
    %mul3A_25 = arith.constant 3 : i32
    %mul3A_26 = arith.muli %mul3A_24, %mul3A_25 : i32
    "tpu.region"() ({
      %run_scoped3A = tpu.sem_alloc : memref<!tpu.dma_semaphore, #tpu.memory_space<semaphore_mem>>
      %dma_start3A = tpu.memref_slice %arg4[%mul3A_26] : memref<6144xf32, #tpu.memory_space<hbm>> -> memref<192xf32, #tpu.memory_space<hbm>>
      %dma_start3A_37 = tpu.memref_slice %arg4[%mul3A_26] : memref<6144xf32, #tpu.memory_space<hbm>> -> memref<192xf32, #tpu.memory_space<hbm>>
      tpu.enqueue_dma source(%dma_start3A_37 : memref<192xf32, #tpu.memory_space<hbm>>) target(%arg8 : memref<192xf32, #tpu.memory_space<vmem>>) target_semaphore(%run_scoped3A : memref<!tpu.dma_semaphore, #tpu.memory_space<semaphore_mem>>)
      %dma_wait3A = tpu.memref_slice %arg4[%mul3A_26] : memref<6144xf32, #tpu.memory_space<hbm>> -> memref<192xf32, #tpu.memory_space<hbm>>
      %dma_wait3A_38 = tpu.memref_slice %arg4[%mul3A_26] : memref<6144xf32, #tpu.memory_space<hbm>> -> memref<192xf32, #tpu.memory_space<hbm>>
      tpu.wait_dma2 semaphore(%run_scoped3A : memref<!tpu.dma_semaphore, #tpu.memory_space<semaphore_mem>>) src(%dma_wait3A_38 : memref<192xf32, #tpu.memory_space<hbm>>) dst(%arg8 : memref<192xf32, #tpu.memory_space<vmem>>)
      tpu.yield
    }) : () -> ()
    %mul3A_27 = arith.constant 98304 : i32
    %mul3A_28 = arith.muli %select_n3A, %mul3A_27 : i32
    %scan3A = arith.constant 0 : i32
    %scan3A_29 = arith.constant 0 : i32
    %scan3A_30 = arith.constant 768 : i32
    %scan3A_31 = arith.addi %scan3A_29, %scan3A_30 : i32
    %scan3A_32 = arith.constant 1 : i32
    %scan3A_33 = scf.for %scan3A_37 = %scan3A_29 to %scan3A_31 step %scan3A_32 iter_args(%scan3A_38 = %scan3A) -> (i32)  : i32 {
      %iota3A = tpu.iota {dimensions = array<i32: 0>} : vector<16xi32>
      %mul3A_39 = arith.constant 16 : i32
      %mul3A_40 = arith.muli %scan3A_37, %mul3A_39 : i32
      %add3A_41 = vector.broadcast %mul3A_40 : i32 to vector<16xi32>
      %add3A_42 = arith.addi %add3A_41, %iota3A : vector<16xi32>
      %mul3A_43 = arith.constant 43691 : i32
      %mul3A_44 = vector.broadcast %mul3A_43 : i32 to vector<16xi32>
      %mul3A_45 = arith.muli %add3A_42, %mul3A_44 : vector<16xi32>
      %shift_right_arithmetic3A = arith.constant 18 : i32
      %shift_right_arithmetic3A_46 = vector.broadcast %shift_right_arithmetic3A : i32 to vector<16xi32>
      %shift_right_arithmetic3A_47 = arith.shrsi %mul3A_45, %shift_right_arithmetic3A_46 : vector<16xi32>
      %mul3A_48 = arith.constant 6 : i32
      %mul3A_49 = vector.broadcast %mul3A_48 : i32 to vector<16xi32>
      %mul3A_50 = arith.muli %shift_right_arithmetic3A_47, %mul3A_49 : vector<16xi32>
      %sub3A_51 = arith.subi %add3A_42, %mul3A_50 : vector<16xi32>
      %sub3A_52 = arith.constant 3 : i32
      %sub3A_53 = vector.broadcast %sub3A_52 : i32 to vector<16xi32>
      %sub3A_54 = arith.subi %sub3A_51, %sub3A_53 : vector<16xi32>
      %shift_right_arithmetic3A_55 = arith.constant 31 : i32
      %shift_right_arithmetic3A_56 = vector.broadcast %shift_right_arithmetic3A_55 : i32 to vector<16xi32>
      %shift_right_arithmetic3A_57 = arith.shrsi %sub3A_54, %shift_right_arithmetic3A_56 : vector<16xi32>
      %neg3A = arith.constant 0 : i32
      %neg3A_58 = vector.broadcast %neg3A : i32 to vector<16xi32>
      %neg3A_59 = arith.subi %neg3A_58, %shift_right_arithmetic3A_57 : vector<16xi32>
      %convert_element_type3A = arith.sitofp %neg3A_59 : vector<16xi32> to vector<16xf32>
      %mul3A_60 = arith.muli %sub3A_51, %neg3A_59 : vector<16xi32>
      %sub3A_61 = arith.constant 1 : i32
      %sub3A_62 = vector.broadcast %sub3A_61 : i32 to vector<16xi32>
      %sub3A_63 = arith.subi %sub3A_62, %neg3A_59 : vector<16xi32>
      %mul3A_64 = arith.constant 2 : i32
      %mul3A_65 = vector.broadcast %mul3A_64 : i32 to vector<16xi32>
      %mul3A_66 = arith.muli %mul3A_65, %sub3A_63 : vector<16xi32>
      %add3A_67 = arith.addi %mul3A_60, %mul3A_66 : vector<16xi32>
      %shift_right_arithmetic3A_68 = arith.constant 5 : i32
      %shift_right_arithmetic3A_69 = vector.broadcast %shift_right_arithmetic3A_68 : i32 to vector<16xi32>
      %shift_right_arithmetic3A_70 = arith.shrsi %shift_right_arithmetic3A_47, %shift_right_arithmetic3A_69 : vector<16xi32>
      %mul3A_71 = arith.constant 3 : i32
      %mul3A_72 = vector.broadcast %mul3A_71 : i32 to vector<16xi32>
      %mul3A_73 = arith.muli %shift_right_arithmetic3A_70, %mul3A_72 : vector<16xi32>
      %add3A_74 = arith.addi %mul3A_73, %add3A_67 : vector<16xi32>
      %gather3A = tpu.vector_load_idx %arg7[%shift_right_arithmetic3A_47] : memref<2048xi32, #tpu.memory_space<vmem>>[vector<16xi32>], vector<16xi32>,
      %mul3A_75 = arith.constant 6 : i32
      %mul3A_76 = vector.broadcast %mul3A_75 : i32 to vector<16xi32>
      %mul3A_77 = arith.muli %gather3A, %mul3A_76 : vector<16xi32>
      %add3A_78 = arith.addi %mul3A_77, %sub3A_51 : vector<16xi32>
      %sub3A_79 = vector.broadcast %mul3A_28 : i32 to vector<16xi32>
      %sub3A_80 = arith.subi %add3A_78, %sub3A_79 : vector<16xi32>
      %gather3A_81 = tpu.vector_load_idx %arg6[%sub3A_80] : memref<98304xf32, #tpu.memory_space<vmem>>[vector<16xi32>], vector<16xf32>,
      %gather3A_82 = tpu.vector_load_idx %arg8[%add3A_74] : memref<192xf32, #tpu.memory_space<vmem>>[vector<16xi32>], vector<16xf32>,
      %mul3A_83 = arith.mulf %gather3A_82, %convert_element_type3A : vector<16xf32>
      %sub3A_84 = arith.subf %gather3A_81, %mul3A_83 : vector<16xf32>
      %mul3A_85 = arith.constant 16 : i32
      %mul3A_86 = arith.muli %scan3A_37, %mul3A_85 : i32
      %swap3A = arith.index_cast %mul3A_86 : i32 to index
      %swap3A_87 = tpu.vector_load %arg9[%swap3A] {strides = array<i32>} : memref<12288xf32, #tpu.memory_space<vmem>>, vector<16xf32>,
      tpu.vector_store %arg9[%swap3A], %sub3A_84 {strides = array<i32>} : memref<12288xf32, #tpu.memory_space<vmem>>, vector<16xf32>,
      %scan3A_88 = arith.constant 0 : i32
      scf.yield %scan3A_88 : i32
    }
    %scan3A_34 = arith.constant 768 : i32
    %mul3A_35 = arith.constant 12288 : i32
    %mul3A_36 = arith.muli %add3A, %mul3A_35 : i32
    "tpu.region"() ({
      %run_scoped3A = tpu.sem_alloc : memref<!tpu.dma_semaphore, #tpu.memory_space<semaphore_mem>>
      %dma_start3A = tpu.memref_slice %arg5[%mul3A_36] : memref<393216xf32, #tpu.memory_space<hbm>> -> memref<12288xf32, #tpu.memory_space<hbm>>
      %dma_start3A_37 = tpu.memref_slice %arg5[%mul3A_36] : memref<393216xf32, #tpu.memory_space<hbm>> -> memref<12288xf32, #tpu.memory_space<hbm>>
      tpu.enqueue_dma source(%arg9 : memref<12288xf32, #tpu.memory_space<vmem>>) target(%dma_start3A_37 : memref<12288xf32, #tpu.memory_space<hbm>>) target_semaphore(%run_scoped3A : memref<!tpu.dma_semaphore, #tpu.memory_space<semaphore_mem>>)
      %dma_wait3A = tpu.memref_slice %arg5[%mul3A_36] : memref<393216xf32, #tpu.memory_space<hbm>> -> memref<12288xf32, #tpu.memory_space<hbm>>
      %dma_wait3A_38 = tpu.memref_slice %arg5[%mul3A_36] : memref<393216xf32, #tpu.memory_space<hbm>> -> memref<12288xf32, #tpu.memory_space<hbm>>
      tpu.wait_dma2 semaphore(%run_scoped3A : memref<!tpu.dma_semaphore, #tpu.memory_space<semaphore_mem>>) src(%arg9 : memref<12288xf32, #tpu.memory_space<vmem>>) dst(%dma_wait3A_38 : memref<12288xf32, #tpu.memory_space<hbm>>)
      tpu.yield
    }) : () -> ()
    return
  }
}

module attributes {stable_mosaic.version = 14 : i64} {
  func.func @_fps_body(%arg0: memref<4xi32, #tpu.memory_space<smem>>, %arg1: memref<4x128x128xf32, #tpu.memory_space<vmem>>, %arg2: memref<4x128x128xf32, #tpu.memory_space<vmem>>, %arg3: memref<4x128x128xf32, #tpu.memory_space<vmem>>, %arg4: memref<4x512x3xf32, #tpu.memory_space<vmem>>) attributes {dimension_semantics = [], scalar_prefetch = 0 : i64, scratch_operands = 0 : i64, tpu.core_type = #tpu.core_type<tc>} {
    %get3A = arith.constant 0 : index
    %get3A_0 = arith.constant 0 : index
    %get3A_1 = arith.constant 0 : index
    %get3A_2 = vector.load %arg1[%get3A, %get3A_0, %get3A_1] : memref<4x128x128xf32, #tpu.memory_space<vmem>>, vector<4x128x128xf32>
    %get3A_3 = arith.constant 0 : index
    %get3A_4 = arith.constant 0 : index
    %get3A_5 = arith.constant 0 : index
    %get3A_6 = vector.load %arg2[%get3A_3, %get3A_4, %get3A_5] : memref<4x128x128xf32, #tpu.memory_space<vmem>>, vector<4x128x128xf32>
    %get3A_7 = arith.constant 0 : index
    %get3A_8 = arith.constant 0 : index
    %get3A_9 = arith.constant 0 : index
    %get3A_10 = vector.load %arg3[%get3A_7, %get3A_8, %get3A_9] : memref<4x128x128xf32, #tpu.memory_space<vmem>>, vector<4x128x128xf32>
    %iota3A = tpu.iota {dimensions = array<i32: 1>} : vector<4x128x128xi32>
    %iota3A_11 = tpu.iota {dimensions = array<i32: 2>} : vector<4x128x128xi32>
    %mul3A = arith.constant 128 : i32
    %mul3A_12 = vector.broadcast %mul3A : i32 to vector<4x128x128xi32>
    %mul3A_13 = arith.muli %iota3A, %mul3A_12 : vector<4x128x128xi32>
    %add3A = arith.addi %mul3A_13, %iota3A_11 : vector<4x128x128xi32>
    %iota3A_14 = tpu.iota {dimensions = array<i32: 0>} : vector<4x1x1xi32>
    %broadcast_in_dim3A = arith.constant 0 : i32
    %broadcast_in_dim3A_15 = vector.broadcast %broadcast_in_dim3A : i32 to vector<4x1x1xi32>
    %eq3A = arith.constant 0 : i32
    %eq3A_16 = vector.broadcast %eq3A : i32 to vector<4x1x1xi32>
    %eq3A_17 = arith.cmpi eq, %iota3A_14, %eq3A_16 : vector<4x1x1xi32>
    %get3A_18 = arith.constant 0 : index
    %get3A_19 = memref.load %arg0[%get3A_18] : memref<4xi32, #tpu.memory_space<smem>>
    %broadcast_in_dim3A_20 = vector.broadcast %get3A_19 : i32 to vector<4x1x1xi32>
    %select_n3A = arith.select %eq3A_17, %broadcast_in_dim3A_20, %broadcast_in_dim3A_15 : vector<4x1x1xi1>, vector<4x1x1xi32>
    %eq3A_21 = arith.constant 1 : i32
    %eq3A_22 = vector.broadcast %eq3A_21 : i32 to vector<4x1x1xi32>
    %eq3A_23 = arith.cmpi eq, %iota3A_14, %eq3A_22 : vector<4x1x1xi32>
    %get3A_24 = arith.constant 1 : index
    %get3A_25 = memref.load %arg0[%get3A_24] : memref<4xi32, #tpu.memory_space<smem>>
    %broadcast_in_dim3A_26 = vector.broadcast %get3A_25 : i32 to vector<4x1x1xi32>
    %select_n3A_27 = arith.select %eq3A_23, %broadcast_in_dim3A_26, %select_n3A : vector<4x1x1xi1>, vector<4x1x1xi32>
    %eq3A_28 = arith.constant 2 : i32
    %eq3A_29 = vector.broadcast %eq3A_28 : i32 to vector<4x1x1xi32>
    %eq3A_30 = arith.cmpi eq, %iota3A_14, %eq3A_29 : vector<4x1x1xi32>
    %get3A_31 = arith.constant 2 : index
    %get3A_32 = memref.load %arg0[%get3A_31] : memref<4xi32, #tpu.memory_space<smem>>
    %broadcast_in_dim3A_33 = vector.broadcast %get3A_32 : i32 to vector<4x1x1xi32>
    %select_n3A_34 = arith.select %eq3A_30, %broadcast_in_dim3A_33, %select_n3A_27 : vector<4x1x1xi1>, vector<4x1x1xi32>
    %eq3A_35 = arith.constant 3 : i32
    %eq3A_36 = vector.broadcast %eq3A_35 : i32 to vector<4x1x1xi32>
    %eq3A_37 = arith.cmpi eq, %iota3A_14, %eq3A_36 : vector<4x1x1xi32>
    %get3A_38 = arith.constant 3 : index
    %get3A_39 = memref.load %arg0[%get3A_38] : memref<4xi32, #tpu.memory_space<smem>>
    %broadcast_in_dim3A_40 = vector.broadcast %get3A_39 : i32 to vector<4x1x1xi32>
    %select_n3A_41 = arith.select %eq3A_37, %broadcast_in_dim3A_40, %select_n3A_34 : vector<4x1x1xi1>, vector<4x1x1xi32>
    %lt3A = vector.broadcast %select_n3A_41 : vector<4x1x1xi32> to vector<4x128x128xi32>
    %lt3A_42 = arith.cmpi slt, %add3A, %lt3A : vector<4x128x128xi32>
    %slice3A = vector.extract_strided_slice %get3A_2 {offsets = [0, 0, 0], sizes = [4, 1, 1], strides = [1, 1, 1]} : vector<4x128x128xf32> to vector<4x1x1xf32>
    %slice3A_43 = vector.extract_strided_slice %get3A_6 {offsets = [0, 0, 0], sizes = [4, 1, 1], strides = [1, 1, 1]} : vector<4x128x128xf32> to vector<4x1x1xf32>
    %slice3A_44 = vector.extract_strided_slice %get3A_10 {offsets = [0, 0, 0], sizes = [4, 1, 1], strides = [1, 1, 1]} : vector<4x128x128xf32> to vector<4x1x1xf32>
    %concatenate3A = tpu.concatenate %slice3A, %slice3A_43, %slice3A_44 in 2 : vector<4x1x1xf32>, vector<4x1x1xf32>, vector<4x1x1xf32> -> vector<4x1x3xf32>
    %swap3A = arith.constant 0 : index
    %swap3A_45 = arith.constant 0 : index
    %swap3A_46 = arith.constant 0 : index
    %swap3A_47 = vector.load %arg4[%swap3A, %swap3A_45, %swap3A_46] : memref<4x512x3xf32, #tpu.memory_space<vmem>>, vector<4x1x3xf32>
    tpu.vector_store %arg4[%swap3A, %swap3A_45, %swap3A_46], %concatenate3A {strides = array<i32>} : memref<4x512x3xf32, #tpu.memory_space<vmem>>, vector<4x1x3xf32>,
    %jit3A = arith.constant 1.000000e+10 : f32
    %jit3A_48 = arith.constant -1.000000e+10 : f32
    %broadcast_in_dim3A_49 = vector.broadcast %jit3A : f32 to vector<4x128x128xf32>
    %broadcast_in_dim3A_50 = vector.broadcast %jit3A_48 : f32 to vector<4x128x128xf32>
    %select_n3A_51 = arith.select %lt3A_42, %broadcast_in_dim3A_49, %broadcast_in_dim3A_50 : vector<4x128x128xi1>, vector<4x128x128xf32>
    %scan3A = arith.constant 1 : i32
    %scan3A_52 = arith.constant 511 : i32
    %scan3A_53 = arith.addi %scan3A, %scan3A_52 : i32
    %scan3A_54 = arith.constant 1 : i32
    %scan3A_55:4 = scf.for %scan3A_57 = %scan3A to %scan3A_53 step %scan3A_54 iter_args(%scan3A_58 = %select_n3A_51, %scan3A_59 = %slice3A, %scan3A_60 = %slice3A_43, %scan3A_61 = %slice3A_44) -> (vector<4x128x128xf32>, vector<4x1x1xf32>, vector<4x1x1xf32>, vector<4x1x1xf32>)  : i32 {
      %sub3A = vector.broadcast %scan3A_59 : vector<4x1x1xf32> to vector<4x128x128xf32>
      %sub3A_62 = arith.subf %get3A_2, %sub3A : vector<4x128x128xf32>
      %integer_pow3A = arith.mulf %sub3A_62, %sub3A_62 : vector<4x128x128xf32>
      %sub3A_63 = vector.broadcast %scan3A_60 : vector<4x1x1xf32> to vector<4x128x128xf32>
      %sub3A_64 = arith.subf %get3A_6, %sub3A_63 : vector<4x128x128xf32>
      %integer_pow3A_65 = arith.mulf %sub3A_64, %sub3A_64 : vector<4x128x128xf32>
      %add3A_66 = arith.addf %integer_pow3A, %integer_pow3A_65 : vector<4x128x128xf32>
      %sub3A_67 = vector.broadcast %scan3A_61 : vector<4x1x1xf32> to vector<4x128x128xf32>
      %sub3A_68 = arith.subf %get3A_10, %sub3A_67 : vector<4x128x128xf32>
      %integer_pow3A_69 = arith.mulf %sub3A_68, %sub3A_68 : vector<4x128x128xf32>
      %add3A_70 = arith.addf %add3A_66, %integer_pow3A_69 : vector<4x128x128xf32>
      %jit3A_71 = arith.constant -1.000000e+10 : f32
      %broadcast_in_dim3A_72 = vector.broadcast %jit3A_71 : f32 to vector<4x128x128xf32>
      %select_n3A_73 = arith.select %lt3A_42, %add3A_70, %broadcast_in_dim3A_72 : vector<4x128x128xi1>, vector<4x128x128xf32>
      %min3A = arith.minimumf %scan3A_58, %select_n3A_73 : vector<4x128x128xf32>
      %reduce_max3A = arith.constant dense<0xFF800000> : vector<4xf32>
      %reduce_max3A_74 = vector.multi_reduction <maximumf>, %min3A, %reduce_max3A [1, 2] : vector<4x128x128xf32> to vector<4xf32>
      %broadcast_in_dim3A_75 = vector.shape_cast %reduce_max3A_74 : vector<4xf32> to vector<4x1x1xf32>
      %eq3A_76 = vector.broadcast %broadcast_in_dim3A_75 : vector<4x1x1xf32> to vector<4x128x128xf32>
      %eq3A_77 = arith.cmpf oeq, %min3A, %eq3A_76 : vector<4x128x128xf32>
      %jit3A_78 = arith.constant 2147483647 : i32
      %broadcast_in_dim3A_79 = vector.broadcast %jit3A_78 : i32 to vector<4x128x128xi32>
      %select_n3A_80 = arith.select %eq3A_77, %add3A, %broadcast_in_dim3A_79 : vector<4x128x128xi1>, vector<4x128x128xi32>
      %reduce_min3A = arith.constant dense<2147483647> : vector<4xi32>
      %reduce_min3A_81 = vector.multi_reduction <minsi>, %select_n3A_80, %reduce_min3A [1, 2] : vector<4x128x128xi32> to vector<4xi32>
      %broadcast_in_dim3A_82 = vector.shape_cast %reduce_min3A_81 : vector<4xi32> to vector<4x1x1xi32>
      %eq3A_83 = vector.broadcast %broadcast_in_dim3A_82 : vector<4x1x1xi32> to vector<4x128x128xi32>
      %eq3A_84 = arith.cmpi eq, %add3A, %eq3A_83 : vector<4x128x128xi32>
      %jit3A_85 = arith.constant 0.000000e+00 : f32
      %broadcast_in_dim3A_86 = vector.broadcast %jit3A_85 : f32 to vector<4x128x128xf32>
      %select_n3A_87 = arith.select %eq3A_84, %get3A_2, %broadcast_in_dim3A_86 : vector<4x128x128xi1>, vector<4x128x128xf32>
      %reduce_sum3A = arith.constant dense<0.000000e+00> : vector<4xf32>
      %reduce_sum3A_88 = vector.multi_reduction <add>, %select_n3A_87, %reduce_sum3A [1, 2] : vector<4x128x128xf32> to vector<4xf32>
      %broadcast_in_dim3A_89 = vector.shape_cast %reduce_sum3A_88 : vector<4xf32> to vector<4x1x1xf32>
      %jit3A_90 = arith.constant 0.000000e+00 : f32
      %broadcast_in_dim3A_91 = vector.broadcast %jit3A_90 : f32 to vector<4x128x128xf32>
      %select_n3A_92 = arith.select %eq3A_84, %get3A_6, %broadcast_in_dim3A_91 : vector<4x128x128xi1>, vector<4x128x128xf32>
      %reduce_sum3A_93 = arith.constant dense<0.000000e+00> : vector<4xf32>
      %reduce_sum3A_94 = vector.multi_reduction <add>, %select_n3A_92, %reduce_sum3A_93 [1, 2] : vector<4x128x128xf32> to vector<4xf32>
      %broadcast_in_dim3A_95 = vector.shape_cast %reduce_sum3A_94 : vector<4xf32> to vector<4x1x1xf32>
      %jit3A_96 = arith.constant 0.000000e+00 : f32
      %broadcast_in_dim3A_97 = vector.broadcast %jit3A_96 : f32 to vector<4x128x128xf32>
      %select_n3A_98 = arith.select %eq3A_84, %get3A_10, %broadcast_in_dim3A_97 : vector<4x128x128xi1>, vector<4x128x128xf32>
      %reduce_sum3A_99 = arith.constant dense<0.000000e+00> : vector<4xf32>
      %reduce_sum3A_100 = vector.multi_reduction <add>, %select_n3A_98, %reduce_sum3A_99 [1, 2] : vector<4x128x128xf32> to vector<4xf32>
      %broadcast_in_dim3A_101 = vector.shape_cast %reduce_sum3A_100 : vector<4xf32> to vector<4x1x1xf32>
      %concatenate3A_102 = tpu.concatenate %broadcast_in_dim3A_89, %broadcast_in_dim3A_95, %broadcast_in_dim3A_101 in 2 : vector<4x1x1xf32>, vector<4x1x1xf32>, vector<4x1x1xf32> -> vector<4x1x3xf32>
      %swap3A_103 = arith.constant 0 : index
      %swap3A_104 = arith.index_cast %scan3A_57 : i32 to index
      %swap3A_105 = arith.constant 0 : index
      %swap3A_106 = vector.load %arg4[%swap3A_103, %swap3A_104, %swap3A_105] : memref<4x512x3xf32, #tpu.memory_space<vmem>>, vector<4x1x3xf32>
      tpu.vector_store %arg4[%swap3A_103, %swap3A_104, %swap3A_105], %concatenate3A_102 {strides = array<i32>} : memref<4x512x3xf32, #tpu.memory_space<vmem>>, vector<4x1x3xf32>,
      scf.yield %min3A, %broadcast_in_dim3A_89, %broadcast_in_dim3A_95, %broadcast_in_dim3A_101 : vector<4x128x128xf32>, vector<4x1x1xf32>, vector<4x1x1xf32>, vector<4x1x1xf32>
    }
    %scan3A_56 = arith.constant 511 : i32
    return
  }
}

module attributes {stable_mosaic.version = 14 : i64} {
  func.func @_knn_body(%arg0: i32, %arg1: memref<4xi32, #tpu.memory_space<smem>>, %arg2: memref<1x3x16384xf32, #tpu.memory_space<vmem>>, %arg3: memref<1x512x3xf32, #tpu.memory_space<vmem>>, %arg4: memref<1x512x32xi32, #tpu.memory_space<vmem>>, %arg5: memref<512x2048xf32, #tpu.memory_space<vmem>>, %arg6: memref<512x2048xi32, #tpu.memory_space<vmem>>, %arg7: memref<512x2048xf32, #tpu.memory_space<vmem>>, %arg8: memref<512x2048xi32, #tpu.memory_space<vmem>>, %arg9: memref<512x128xf32, #tpu.memory_space<vmem>>, %arg10: memref<512x128xi32, #tpu.memory_space<vmem>>) attributes {dimension_semantics = [#tpu.dimension_semantics<arbitrary>], iteration_bounds = array<i64: 4>, scalar_prefetch = 0 : i64, scratch_operands = 6 : i64, tpu.core_type = #tpu.core_type<tc>, window_params = [{transform_indices = @transform_0, window_bounds = array<i64: 4>}, {transform_indices = @transform_1, window_bounds = array<i64: 1, 3, 16384>}, {transform_indices = @transform_2, window_bounds = array<i64: 1, 512, 3>}, {transform_indices = @transform_3, window_bounds = array<i64: 1, 512, 32>}]} {
    %get3A = arith.index_cast %arg0 : i32 to index
    %get3A_0 = memref.load %arg1[%get3A] : memref<4xi32, #tpu.memory_space<smem>>
    %get3A_1 = arith.constant 0 : index
    %get3A_2 = arith.constant 0 : index
    %get3A_3 = arith.constant 0 : index
    %get3A_4 = vector.load %arg3[%get3A_1, %get3A_2, %get3A_3] : memref<1x512x3xf32, #tpu.memory_space<vmem>>, vector<1x512x1xf32>
    %get3A_5 = vector.shape_cast %get3A_4 : vector<1x512x1xf32> to vector<512x1xf32>
    %get3A_6 = arith.constant 0 : index
    %get3A_7 = arith.constant 0 : index
    %get3A_8 = arith.constant 1 : index
    %get3A_9 = vector.load %arg3[%get3A_6, %get3A_7, %get3A_8] : memref<1x512x3xf32, #tpu.memory_space<vmem>>, vector<1x512x1xf32>
    %get3A_10 = vector.shape_cast %get3A_9 : vector<1x512x1xf32> to vector<512x1xf32>
    %get3A_11 = arith.constant 0 : index
    %get3A_12 = arith.constant 0 : index
    %get3A_13 = arith.constant 2 : index
    %get3A_14 = vector.load %arg3[%get3A_11, %get3A_12, %get3A_13] : memref<1x512x3xf32, #tpu.memory_space<vmem>>, vector<1x512x1xf32>
    %get3A_15 = vector.shape_cast %get3A_14 : vector<1x512x1xf32> to vector<512x1xf32>
    %mul3A = arith.constant 16384 : i32
    %mul3A_16 = arith.muli %arg0, %mul3A : i32
    %iota3A = tpu.iota {dimensions = array<i32: 1>} : vector<1x128xi32>
    %scan3A = arith.constant 0 : i32
    %scan3A_17 = arith.constant 4 : i32
    %scan3A_18 = arith.addi %scan3A, %scan3A_17 : i32
    %scan3A_19 = arith.constant 1 : i32
    scf.for %scan3A_33 = %scan3A to %scan3A_18 step %scan3A_19  : i32 {
      %mul3A_34 = arith.constant 4096 : i32
      %mul3A_35 = arith.muli %scan3A_33, %mul3A_34 : i32
      %get3A_36 = arith.constant 0 : index
      %get3A_37 = arith.constant 0 : index
      %get3A_38 = arith.index_cast %mul3A_35 : i32 to index
      %get3A_39 = vector.load %arg2[%get3A_36, %get3A_37, %get3A_38] : memref<1x3x16384xf32, #tpu.memory_space<vmem>>, vector<1x1x2048xf32>
      %get3A_40 = vector.shape_cast %get3A_39 : vector<1x1x2048xf32> to vector<1x2048xf32>
      %mul3A_41 = arith.constant 4096 : i32
      %mul3A_42 = arith.muli %scan3A_33, %mul3A_41 : i32
      %get3A_43 = arith.constant 0 : index
      %get3A_44 = arith.constant 1 : index
      %get3A_45 = arith.index_cast %mul3A_42 : i32 to index
      %get3A_46 = vector.load %arg2[%get3A_43, %get3A_44, %get3A_45] : memref<1x3x16384xf32, #tpu.memory_space<vmem>>, vector<1x1x2048xf32>
      %get3A_47 = vector.shape_cast %get3A_46 : vector<1x1x2048xf32> to vector<1x2048xf32>
      %mul3A_48 = arith.constant 4096 : i32
      %mul3A_49 = arith.muli %scan3A_33, %mul3A_48 : i32
      %get3A_50 = arith.constant 0 : index
      %get3A_51 = arith.constant 2 : index
      %get3A_52 = arith.index_cast %mul3A_49 : i32 to index
      %get3A_53 = vector.load %arg2[%get3A_50, %get3A_51, %get3A_52] : memref<1x3x16384xf32, #tpu.memory_space<vmem>>, vector<1x1x2048xf32>
      %get3A_54 = vector.shape_cast %get3A_53 : vector<1x1x2048xf32> to vector<1x2048xf32>
      %mul3A_55 = arith.constant 4096 : i32
      %mul3A_56 = arith.muli %scan3A_33, %mul3A_55 : i32
      %add3A = arith.constant 2048 : i32
      %add3A_57 = arith.addi %mul3A_56, %add3A : i32
      %get3A_58 = arith.constant 0 : index
      %get3A_59 = arith.constant 0 : index
      %get3A_60 = arith.index_cast %add3A_57 : i32 to index
      %get3A_61 = vector.load %arg2[%get3A_58, %get3A_59, %get3A_60] : memref<1x3x16384xf32, #tpu.memory_space<vmem>>, vector<1x1x2048xf32>
      %get3A_62 = vector.shape_cast %get3A_61 : vector<1x1x2048xf32> to vector<1x2048xf32>
      %mul3A_63 = arith.constant 4096 : i32
      %mul3A_64 = arith.muli %scan3A_33, %mul3A_63 : i32
      %add3A_65 = arith.constant 2048 : i32
      %add3A_66 = arith.addi %mul3A_64, %add3A_65 : i32
      %get3A_67 = arith.constant 0 : index
      %get3A_68 = arith.constant 1 : index
      %get3A_69 = arith.index_cast %add3A_66 : i32 to index
      %get3A_70 = vector.load %arg2[%get3A_67, %get3A_68, %get3A_69] : memref<1x3x16384xf32, #tpu.memory_space<vmem>>, vector<1x1x2048xf32>
      %get3A_71 = vector.shape_cast %get3A_70 : vector<1x1x2048xf32> to vector<1x2048xf32>
      %mul3A_72 = arith.constant 4096 : i32
      %mul3A_73 = arith.muli %scan3A_33, %mul3A_72 : i32
      %add3A_74 = arith.constant 2048 : i32
      %add3A_75 = arith.addi %mul3A_73, %add3A_74 : i32
      %get3A_76 = arith.constant 0 : index
      %get3A_77 = arith.constant 2 : index
      %get3A_78 = arith.index_cast %add3A_75 : i32 to index
      %get3A_79 = vector.load %arg2[%get3A_76, %get3A_77, %get3A_78] : memref<1x3x16384xf32, #tpu.memory_space<vmem>>, vector<1x1x2048xf32>
      %get3A_80 = vector.shape_cast %get3A_79 : vector<1x1x2048xf32> to vector<1x2048xf32>
      %mul3A_81 = arith.constant 4096 : i32
      %mul3A_82 = arith.muli %scan3A_33, %mul3A_81 : i32
      %add3A_83 = arith.addi %mul3A_16, %mul3A_82 : i32
      %iota3A_84 = tpu.iota {dimensions = array<i32: 1>} : vector<1x2048xi32>
      %add3A_85 = vector.broadcast %add3A_83 : i32 to vector<1x2048xi32>
      %add3A_86 = arith.addi %add3A_85, %iota3A_84 : vector<1x2048xi32>
      %add3A_87 = arith.constant 2048 : i32
      %add3A_88 = vector.broadcast %add3A_87 : i32 to vector<1x2048xi32>
      %add3A_89 = arith.addi %add3A_86, %add3A_88 : vector<1x2048xi32>
      %add3A_90 = arith.addi %mul3A_16, %get3A_0 : i32
      %sub3A = vector.broadcast %get3A_5 : vector<512x1xf32> to vector<512x2048xf32>
      %sub3A_91 = vector.broadcast %get3A_40 : vector<1x2048xf32> to vector<512x2048xf32>
      %sub3A_92 = arith.subf %sub3A, %sub3A_91 : vector<512x2048xf32>
      %integer_pow3A = arith.mulf %sub3A_92, %sub3A_92 : vector<512x2048xf32>
      %sub3A_93 = vector.broadcast %get3A_10 : vector<512x1xf32> to vector<512x2048xf32>
      %sub3A_94 = vector.broadcast %get3A_47 : vector<1x2048xf32> to vector<512x2048xf32>
      %sub3A_95 = arith.subf %sub3A_93, %sub3A_94 : vector<512x2048xf32>
      %integer_pow3A_96 = arith.mulf %sub3A_95, %sub3A_95 : vector<512x2048xf32>
      %add3A_97 = arith.addf %integer_pow3A, %integer_pow3A_96 : vector<512x2048xf32>
      %sub3A_98 = vector.broadcast %get3A_15 : vector<512x1xf32> to vector<512x2048xf32>
      %sub3A_99 = vector.broadcast %get3A_54 : vector<1x2048xf32> to vector<512x2048xf32>
      %sub3A_100 = arith.subf %sub3A_98, %sub3A_99 : vector<512x2048xf32>
      %integer_pow3A_101 = arith.mulf %sub3A_100, %sub3A_100 : vector<512x2048xf32>
      %add3A_102 = arith.addf %add3A_97, %integer_pow3A_101 : vector<512x2048xf32>
      %lt3A = vector.broadcast %add3A_90 : i32 to vector<1x2048xi32>
      %lt3A_103 = arith.cmpi slt, %add3A_86, %lt3A : vector<1x2048xi32>
      %jit3A = arith.constant 1.000000e+10 : f32
      %broadcast_in_dim3A_104 = vector.shape_cast %lt3A_103 : vector<1x2048xi1> to vector<1x2048xi1>
      %broadcast_in_dim3A_105 = vector.broadcast %broadcast_in_dim3A_104 : vector<1x2048xi1> to vector<512x2048xi1>
      %broadcast_in_dim3A_106 = vector.broadcast %jit3A : f32 to vector<512x2048xf32>
      %select_n3A = arith.select %broadcast_in_dim3A_105, %add3A_102, %broadcast_in_dim3A_106 : vector<512x2048xi1>, vector<512x2048xf32>
      %sub3A_107 = vector.broadcast %get3A_5 : vector<512x1xf32> to vector<512x2048xf32>
      %sub3A_108 = vector.broadcast %get3A_62 : vector<1x2048xf32> to vector<512x2048xf32>
      %sub3A_109 = arith.subf %sub3A_107, %sub3A_108 : vector<512x2048xf32>
      %integer_pow3A_110 = arith.mulf %sub3A_109, %sub3A_109 : vector<512x2048xf32>
      %sub3A_111 = vector.broadcast %get3A_10 : vector<512x1xf32> to vector<512x2048xf32>
      %sub3A_112 = vector.broadcast %get3A_71 : vector<1x2048xf32> to vector<512x2048xf32>
      %sub3A_113 = arith.subf %sub3A_111, %sub3A_112 : vector<512x2048xf32>
      %integer_pow3A_114 = arith.mulf %sub3A_113, %sub3A_113 : vector<512x2048xf32>
      %add3A_115 = arith.addf %integer_pow3A_110, %integer_pow3A_114 : vector<512x2048xf32>
      %sub3A_116 = vector.broadcast %get3A_15 : vector<512x1xf32> to vector<512x2048xf32>
      %sub3A_117 = vector.broadcast %get3A_80 : vector<1x2048xf32> to vector<512x2048xf32>
      %sub3A_118 = arith.subf %sub3A_116, %sub3A_117 : vector<512x2048xf32>
      %integer_pow3A_119 = arith.mulf %sub3A_118, %sub3A_118 : vector<512x2048xf32>
      %add3A_120 = arith.addf %add3A_115, %integer_pow3A_119 : vector<512x2048xf32>
      %lt3A_121 = vector.broadcast %add3A_90 : i32 to vector<1x2048xi32>
      %lt3A_122 = arith.cmpi slt, %add3A_89, %lt3A_121 : vector<1x2048xi32>
      %jit3A_123 = arith.constant 1.000000e+10 : f32
      %broadcast_in_dim3A_124 = vector.shape_cast %lt3A_122 : vector<1x2048xi1> to vector<1x2048xi1>
      %broadcast_in_dim3A_125 = vector.broadcast %broadcast_in_dim3A_124 : vector<1x2048xi1> to vector<512x2048xi1>
      %broadcast_in_dim3A_126 = vector.broadcast %jit3A_123 : f32 to vector<512x2048xf32>
      %select_n3A_127 = arith.select %broadcast_in_dim3A_125, %add3A_120, %broadcast_in_dim3A_126 : vector<512x2048xi1>, vector<512x2048xf32>
      %lt3A_128 = arith.cmpf olt, %select_n3A_127, %select_n3A : vector<512x2048xf32>
      %select_n3A_129 = arith.select %lt3A_128, %select_n3A_127, %select_n3A : vector<512x2048xi1>, vector<512x2048xf32>
      %swap3A_130 = arith.constant 0 : index
      %swap3A_131 = arith.constant 0 : index
      %swap3A_132 = vector.load %arg5[%swap3A_130, %swap3A_131] : memref<512x2048xf32, #tpu.memory_space<vmem>>, vector<512x2048xf32>
      tpu.vector_store %arg5[%swap3A_130, %swap3A_131], %select_n3A_129 {strides = array<i32>} : memref<512x2048xf32, #tpu.memory_space<vmem>>, vector<512x2048xf32>,
      %broadcast_in_dim3A_133 = vector.shape_cast %add3A_89 : vector<1x2048xi32> to vector<1x2048xi32>
      %broadcast_in_dim3A_134 = vector.broadcast %broadcast_in_dim3A_133 : vector<1x2048xi32> to vector<512x2048xi32>
      %broadcast_in_dim3A_135 = vector.shape_cast %add3A_86 : vector<1x2048xi32> to vector<1x2048xi32>
      %broadcast_in_dim3A_136 = vector.broadcast %broadcast_in_dim3A_135 : vector<1x2048xi32> to vector<512x2048xi32>
      %select_n3A_137 = arith.select %lt3A_128, %broadcast_in_dim3A_134, %broadcast_in_dim3A_136 : vector<512x2048xi1>, vector<512x2048xi32>
      %swap3A_138 = arith.constant 0 : index
      %swap3A_139 = arith.constant 0 : index
      %swap3A_140 = vector.load %arg6[%swap3A_138, %swap3A_139] : memref<512x2048xi32, #tpu.memory_space<vmem>>, vector<512x2048xi32>
      tpu.vector_store %arg6[%swap3A_138, %swap3A_139], %select_n3A_137 {strides = array<i32>} : memref<512x2048xi32, #tpu.memory_space<vmem>>, vector<512x2048xi32>,
      %select_n3A_141 = arith.select %lt3A_128, %select_n3A, %select_n3A_127 : vector<512x2048xi1>, vector<512x2048xf32>
      %swap3A_142 = arith.constant 0 : index
      %swap3A_143 = arith.constant 0 : index
      %swap3A_144 = vector.load %arg7[%swap3A_142, %swap3A_143] : memref<512x2048xf32, #tpu.memory_space<vmem>>, vector<512x2048xf32>
      tpu.vector_store %arg7[%swap3A_142, %swap3A_143], %select_n3A_141 {strides = array<i32>} : memref<512x2048xf32, #tpu.memory_space<vmem>>, vector<512x2048xf32>,
      %broadcast_in_dim3A_145 = vector.shape_cast %add3A_86 : vector<1x2048xi32> to vector<1x2048xi32>
      %broadcast_in_dim3A_146 = vector.broadcast %broadcast_in_dim3A_145 : vector<1x2048xi32> to vector<512x2048xi32>
      %broadcast_in_dim3A_147 = vector.shape_cast %add3A_89 : vector<1x2048xi32> to vector<1x2048xi32>
      %broadcast_in_dim3A_148 = vector.broadcast %broadcast_in_dim3A_147 : vector<1x2048xi32> to vector<512x2048xi32>
      %select_n3A_149 = arith.select %lt3A_128, %broadcast_in_dim3A_146, %broadcast_in_dim3A_148 : vector<512x2048xi1>, vector<512x2048xi32>
      %swap3A_150 = arith.constant 0 : index
      %swap3A_151 = arith.constant 0 : index
      %swap3A_152 = vector.load %arg8[%swap3A_150, %swap3A_151] : memref<512x2048xi32, #tpu.memory_space<vmem>>, vector<512x2048xi32>
      tpu.vector_store %arg8[%swap3A_150, %swap3A_151], %select_n3A_149 {strides = array<i32>} : memref<512x2048xi32, #tpu.memory_space<vmem>>, vector<512x2048xi32>,
      %scan3A_153 = arith.constant 0 : i32
      %scan3A_154 = arith.constant 32 : i32
      %scan3A_155 = arith.addi %scan3A_153, %scan3A_154 : i32
      %scan3A_156 = arith.constant 1 : i32
      scf.for %scan3A_158 = %scan3A_153 to %scan3A_155 step %scan3A_156  : i32 {
        %get3A_159 = arith.constant 0 : index
        %get3A_160 = arith.constant 0 : index
        %get3A_161 = vector.load %arg5[%get3A_159, %get3A_160] : memref<512x2048xf32, #tpu.memory_space<vmem>>, vector<512x2048xf32>
        %get3A_162 = arith.constant 0 : index
        %get3A_163 = arith.constant 0 : index
        %get3A_164 = vector.load %arg6[%get3A_162, %get3A_163] : memref<512x2048xi32, #tpu.memory_space<vmem>>, vector<512x2048xi32>
        %reduce_min3A = arith.constant dense<0x7F800000> : vector<512xf32>
        %reduce_min3A_165 = vector.multi_reduction <minimumf>, %get3A_161, %reduce_min3A [1] : vector<512x2048xf32> to vector<512xf32>
        %broadcast_in_dim3A_166 = vector.shape_cast %reduce_min3A_165 : vector<512xf32> to vector<512x1xf32>
        %eq3A = vector.broadcast %broadcast_in_dim3A_166 : vector<512x1xf32> to vector<512x2048xf32>
        %eq3A_167 = arith.cmpf oeq, %get3A_161, %eq3A : vector<512x2048xf32>
        %jit3A_168 = arith.constant 2147483647 : i32
        %broadcast_in_dim3A_169 = vector.broadcast %jit3A_168 : i32 to vector<512x2048xi32>
        %select_n3A_170 = arith.select %eq3A_167, %get3A_164, %broadcast_in_dim3A_169 : vector<512x2048xi1>, vector<512x2048xi32>
        %reduce_min3A_171 = arith.constant dense<2147483647> : vector<512xi32>
        %reduce_min3A_172 = vector.multi_reduction <minsi>, %select_n3A_170, %reduce_min3A_171 [1] : vector<512x2048xi32> to vector<512xi32>
        %broadcast_in_dim3A_173 = vector.shape_cast %reduce_min3A_172 : vector<512xi32> to vector<512x1xi32>
        %eq3A_174 = vector.broadcast %broadcast_in_dim3A_173 : vector<512x1xi32> to vector<512x2048xi32>
        %eq3A_175 = arith.cmpi eq, %get3A_164, %eq3A_174 : vector<512x2048xi32>
        %get3A_176 = arith.constant 0 : index
        %get3A_177 = arith.constant 0 : index
        %get3A_178 = vector.load %arg7[%get3A_176, %get3A_177] : memref<512x2048xf32, #tpu.memory_space<vmem>>, vector<512x2048xf32>
        %select_n3A_179 = arith.select %eq3A_175, %get3A_178, %get3A_161 : vector<512x2048xi1>, vector<512x2048xf32>
        %swap3A_180 = arith.constant 0 : index
        %swap3A_181 = arith.constant 0 : index
        %swap3A_182 = vector.load %arg5[%swap3A_180, %swap3A_181] : memref<512x2048xf32, #tpu.memory_space<vmem>>, vector<512x2048xf32>
        tpu.vector_store %arg5[%swap3A_180, %swap3A_181], %select_n3A_179 {strides = array<i32>} : memref<512x2048xf32, #tpu.memory_space<vmem>>, vector<512x2048xf32>,
        %get3A_183 = arith.constant 0 : index
        %get3A_184 = arith.constant 0 : index
        %get3A_185 = vector.load %arg8[%get3A_183, %get3A_184] : memref<512x2048xi32, #tpu.memory_space<vmem>>, vector<512x2048xi32>
        %select_n3A_186 = arith.select %eq3A_175, %get3A_185, %get3A_164 : vector<512x2048xi1>, vector<512x2048xi32>
        %swap3A_187 = arith.constant 0 : index
        %swap3A_188 = arith.constant 0 : index
        %swap3A_189 = vector.load %arg6[%swap3A_187, %swap3A_188] : memref<512x2048xi32, #tpu.memory_space<vmem>>, vector<512x2048xi32>
        tpu.vector_store %arg6[%swap3A_187, %swap3A_188], %select_n3A_186 {strides = array<i32>} : memref<512x2048xi32, #tpu.memory_space<vmem>>, vector<512x2048xi32>,
        %get3A_190 = arith.constant 0 : index
        %get3A_191 = arith.constant 0 : index
        %get3A_192 = vector.load %arg7[%get3A_190, %get3A_191] : memref<512x2048xf32, #tpu.memory_space<vmem>>, vector<512x2048xf32>
        %jit3A_193 = arith.constant 1.000000e+30 : f32
        %broadcast_in_dim3A_194 = vector.broadcast %jit3A_193 : f32 to vector<512x2048xf32>
        %select_n3A_195 = arith.select %eq3A_175, %broadcast_in_dim3A_194, %get3A_192 : vector<512x2048xi1>, vector<512x2048xf32>
        %swap3A_196 = arith.constant 0 : index
        %swap3A_197 = arith.constant 0 : index
        %swap3A_198 = vector.load %arg7[%swap3A_196, %swap3A_197] : memref<512x2048xf32, #tpu.memory_space<vmem>>, vector<512x2048xf32>
        tpu.vector_store %arg7[%swap3A_196, %swap3A_197], %select_n3A_195 {strides = array<i32>} : memref<512x2048xf32, #tpu.memory_space<vmem>>, vector<512x2048xf32>,
        %mul3A_199 = arith.constant 32 : i32
        %mul3A_200 = arith.muli %scan3A_33, %mul3A_199 : i32
        %add3A_201 = arith.addi %mul3A_200, %scan3A_158 : i32
        %eq3A_202 = vector.broadcast %add3A_201 : i32 to vector<1x128xi32>
        %eq3A_203 = arith.cmpi eq, %iota3A, %eq3A_202 : vector<1x128xi32>
        %get3A_204 = arith.constant 0 : index
        %get3A_205 = arith.constant 0 : index
        %get3A_206 = vector.load %arg9[%get3A_204, %get3A_205] : memref<512x128xf32, #tpu.memory_space<vmem>>, vector<512x128xf32>
        %broadcast_in_dim3A_207 = vector.shape_cast %eq3A_203 : vector<1x128xi1> to vector<1x128xi1>
        %broadcast_in_dim3A_208 = vector.broadcast %broadcast_in_dim3A_207 : vector<1x128xi1> to vector<512x128xi1>
        %broadcast_in_dim3A_209 = vector.shape_cast %broadcast_in_dim3A_166 : vector<512x1xf32> to vector<512x1xf32>
        %broadcast_in_dim3A_210 = vector.broadcast %broadcast_in_dim3A_209 : vector<512x1xf32> to vector<512x128xf32>
        %select_n3A_211 = arith.select %broadcast_in_dim3A_208, %broadcast_in_dim3A_210, %get3A_206 : vector<512x128xi1>, vector<512x128xf32>
        %swap3A_212 = arith.constant 0 : index
        %swap3A_213 = arith.constant 0 : index
        %swap3A_214 = vector.load %arg9[%swap3A_212, %swap3A_213] : memref<512x128xf32, #tpu.memory_space<vmem>>, vector<512x128xf32>
        tpu.vector_store %arg9[%swap3A_212, %swap3A_213], %select_n3A_211 {strides = array<i32>} : memref<512x128xf32, #tpu.memory_space<vmem>>, vector<512x128xf32>,
        %get3A_215 = arith.constant 0 : index
        %get3A_216 = arith.constant 0 : index
        %get3A_217 = vector.load %arg10[%get3A_215, %get3A_216] : memref<512x128xi32, #tpu.memory_space<vmem>>, vector<512x128xi32>
        %broadcast_in_dim3A_218 = vector.shape_cast %eq3A_203 : vector<1x128xi1> to vector<1x128xi1>
        %broadcast_in_dim3A_219 = vector.broadcast %broadcast_in_dim3A_218 : vector<1x128xi1> to vector<512x128xi1>
        %broadcast_in_dim3A_220 = vector.shape_cast %broadcast_in_dim3A_173 : vector<512x1xi32> to vector<512x1xi32>
        %broadcast_in_dim3A_221 = vector.broadcast %broadcast_in_dim3A_220 : vector<512x1xi32> to vector<512x128xi32>
        %select_n3A_222 = arith.select %broadcast_in_dim3A_219, %broadcast_in_dim3A_221, %get3A_217 : vector<512x128xi1>, vector<512x128xi32>
        %swap3A_223 = arith.constant 0 : index
        %swap3A_224 = arith.constant 0 : index
        %swap3A_225 = vector.load %arg10[%swap3A_223, %swap3A_224] : memref<512x128xi32, #tpu.memory_space<vmem>>, vector<512x128xi32>
        tpu.vector_store %arg10[%swap3A_223, %swap3A_224], %select_n3A_222 {strides = array<i32>} : memref<512x128xi32, #tpu.memory_space<vmem>>, vector<512x128xi32>,
      }
      %scan3A_157 = arith.constant 32 : i32
    }
    %scan3A_20 = arith.constant 4 : i32
    %broadcast_in_dim3A = arith.constant 0 : i32
    %broadcast_in_dim3A_21 = vector.broadcast %broadcast_in_dim3A : i32 to vector<512x32xi32>
    %swap3A = arith.constant 0 : index
    %swap3A_22 = arith.constant 0 : index
    %swap3A_23 = arith.constant 0 : index
    %swap3A_24 = vector.load %arg4[%swap3A, %swap3A_22, %swap3A_23] : memref<1x512x32xi32, #tpu.memory_space<vmem>>, vector<1x512x32xi32>
    %swap3A_25 = vector.shape_cast %swap3A_24 : vector<1x512x32xi32> to vector<512x32xi32>
    %swap3A_26 = vector.shape_cast %broadcast_in_dim3A_21 : vector<512x32xi32> to vector<1x512x32xi32>
    tpu.vector_store %arg4[%swap3A, %swap3A_22, %swap3A_23], %swap3A_26 {strides = array<i32>} : memref<1x512x32xi32, #tpu.memory_space<vmem>>, vector<1x512x32xi32>,
    %iota3A_27 = tpu.iota {dimensions = array<i32: 1>} : vector<1x32xi32>
    %scan3A_28 = arith.constant 0 : i32
    %scan3A_29 = arith.constant 32 : i32
    %scan3A_30 = arith.addi %scan3A_28, %scan3A_29 : i32
    %scan3A_31 = arith.constant 1 : i32
    scf.for %scan3A_33 = %scan3A_28 to %scan3A_30 step %scan3A_31  : i32 {
      %get3A_34 = arith.constant 0 : index
      %get3A_35 = arith.constant 0 : index
      %get3A_36 = vector.load %arg9[%get3A_34, %get3A_35] : memref<512x128xf32, #tpu.memory_space<vmem>>, vector<512x128xf32>
      %get3A_37 = arith.constant 0 : index
      %get3A_38 = arith.constant 0 : index
      %get3A_39 = vector.load %arg10[%get3A_37, %get3A_38] : memref<512x128xi32, #tpu.memory_space<vmem>>, vector<512x128xi32>
      %reduce_min3A = arith.constant dense<0x7F800000> : vector<512xf32>
      %reduce_min3A_40 = vector.multi_reduction <minimumf>, %get3A_36, %reduce_min3A [1] : vector<512x128xf32> to vector<512xf32>
      %broadcast_in_dim3A_41 = vector.shape_cast %reduce_min3A_40 : vector<512xf32> to vector<512x1xf32>
      %eq3A = vector.broadcast %broadcast_in_dim3A_41 : vector<512x1xf32> to vector<512x128xf32>
      %eq3A_42 = arith.cmpf oeq, %get3A_36, %eq3A : vector<512x128xf32>
      %jit3A = arith.constant 2147483647 : i32
      %broadcast_in_dim3A_43 = vector.broadcast %jit3A : i32 to vector<512x128xi32>
      %select_n3A = arith.select %eq3A_42, %get3A_39, %broadcast_in_dim3A_43 : vector<512x128xi1>, vector<512x128xi32>
      %reduce_min3A_44 = arith.constant dense<2147483647> : vector<512xi32>
      %reduce_min3A_45 = vector.multi_reduction <minsi>, %select_n3A, %reduce_min3A_44 [1] : vector<512x128xi32> to vector<512xi32>
      %broadcast_in_dim3A_46 = vector.shape_cast %reduce_min3A_45 : vector<512xi32> to vector<512x1xi32>
      %eq3A_47 = vector.broadcast %broadcast_in_dim3A_46 : vector<512x1xi32> to vector<512x128xi32>
      %eq3A_48 = arith.cmpi eq, %get3A_39, %eq3A_47 : vector<512x128xi32>
      %jit3A_49 = arith.constant 1.000000e+30 : f32
      %broadcast_in_dim3A_50 = vector.broadcast %jit3A_49 : f32 to vector<512x128xf32>
      %select_n3A_51 = arith.select %eq3A_48, %broadcast_in_dim3A_50, %get3A_36 : vector<512x128xi1>, vector<512x128xf32>
      %swap3A_52 = arith.constant 0 : index
      %swap3A_53 = arith.constant 0 : index
      %swap3A_54 = vector.load %arg9[%swap3A_52, %swap3A_53] : memref<512x128xf32, #tpu.memory_space<vmem>>, vector<512x128xf32>
      tpu.vector_store %arg9[%swap3A_52, %swap3A_53], %select_n3A_51 {strides = array<i32>} : memref<512x128xf32, #tpu.memory_space<vmem>>, vector<512x128xf32>,
      %eq3A_55 = vector.broadcast %scan3A_33 : i32 to vector<1x32xi32>
      %eq3A_56 = arith.cmpi eq, %iota3A_27, %eq3A_55 : vector<1x32xi32>
      %get3A_57 = arith.constant 0 : index
      %get3A_58 = arith.constant 0 : index
      %get3A_59 = arith.constant 0 : index
      %get3A_60 = vector.load %arg4[%get3A_57, %get3A_58, %get3A_59] : memref<1x512x32xi32, #tpu.memory_space<vmem>>, vector<1x512x32xi32>
      %get3A_61 = vector.shape_cast %get3A_60 : vector<1x512x32xi32> to vector<512x32xi32>
      %broadcast_in_dim3A_62 = vector.shape_cast %eq3A_56 : vector<1x32xi1> to vector<1x32xi1>
      %broadcast_in_dim3A_63 = vector.broadcast %broadcast_in_dim3A_62 : vector<1x32xi1> to vector<512x32xi1>
      %broadcast_in_dim3A_64 = vector.shape_cast %broadcast_in_dim3A_46 : vector<512x1xi32> to vector<512x1xi32>
      %broadcast_in_dim3A_65 = vector.broadcast %broadcast_in_dim3A_64 : vector<512x1xi32> to vector<512x32xi32>
      %select_n3A_66 = arith.select %broadcast_in_dim3A_63, %broadcast_in_dim3A_65, %get3A_61 : vector<512x32xi1>, vector<512x32xi32>
      %swap3A_67 = arith.constant 0 : index
      %swap3A_68 = arith.constant 0 : index
      %swap3A_69 = arith.constant 0 : index
      %swap3A_70 = vector.load %arg4[%swap3A_67, %swap3A_68, %swap3A_69] : memref<1x512x32xi32, #tpu.memory_space<vmem>>, vector<1x512x32xi32>
      %swap3A_71 = vector.shape_cast %swap3A_70 : vector<1x512x32xi32> to vector<512x32xi32>
      %swap3A_72 = vector.shape_cast %select_n3A_66 : vector<512x32xi32> to vector<1x512x32xi32>
      tpu.vector_store %arg4[%swap3A_67, %swap3A_68, %swap3A_69], %swap3A_72 {strides = array<i32>} : memref<1x512x32xi32, #tpu.memory_space<vmem>>, vector<1x512x32xi32>,
    }
    %scan3A_32 = arith.constant 32 : i32
    return
  }
  func.func @transform_0(%arg0: i32) -> i32 {
    %c0_i32 = arith.constant 0 : i32
    %c0_i32_0 = arith.constant 0 : i32
    return %c0_i32 : i32
  }
  func.func @transform_1(%arg0: i32) -> (i32, i32, i32) {
    %c0_i32 = arith.constant 0 : i32
    %c0_i32_0 = arith.constant 0 : i32
    %c0_i32_1 = arith.constant 0 : i32
    return %arg0, %c0_i32, %c0_i32_0 : i32, i32, i32
  }
  func.func @transform_2(%arg0: i32) -> (i32, i32, i32) {
    %c0_i32 = arith.constant 0 : i32
    %c0_i32_0 = arith.constant 0 : i32
    %c0_i32_1 = arith.constant 0 : i32
    return %arg0, %c0_i32, %c0_i32_0 : i32, i32, i32
  }
  func.func @transform_3(%arg0: i32) -> (i32, i32, i32) {
    %c0_i32 = arith.constant 0 : i32
    %c0_i32_0 = arith.constant 0 : i32
    %c0_i32_1 = arith.constant 0 : i32
    return %arg0, %c0_i32, %c0_i32_0 : i32, i32, i32
  }
}

</mosaic_0001>

<sc_bundles>
// kernel: kernel.5.cloned.1.call-start
scs
__scs_entry_jumppad:
0x0: {  	(pc) =	sbr.rel $0x88, $3  }
0x1: {  	(tag) =	ssettag $0x0;
	lr =	simm.s32 $0x1  }
0x2: {  	[smem:$0x3F9F] =	sst lr;
	_ =	strace $0xD0000000  }
0x3: {  	_ = 	snop  }
0x4: {  	_ = 	snop  }
0x5: {  	_ = 	snop  }
0x6: {  	_ = 	snop  }
0x7: {  	_ = 	snop  }
__scs_overlays_trampoline_lowered:
0x8: {  	[smem:$0x3FAE] =	sst s0  }
0x9: {  	[smem:$0x3FAF] =	sst s1  }
0xa: {  	[smem:$0x3FB0] =	sst s2  }
0xb: {  	[smem:$0x3FB1] =	sst s3  }
0xc: {  	[smem:$0x3FB2] =	sst s4  }
0xd: {  	[smem:$0x3FB3] =	sst s5  }
0xe: {  	[smem:$0x3FB4] =	sst s6  }
0xf: {  	[smem:$0x3FB5] =	sst s7  }
0x10: {  	[smem:$0x3FB6] =	sst s8  }
0x11: {  	[smem:$0x3FB7] =	sst s9;
	s0 =	simm.s32 @!p0 $0x0  }
0x12: {  	s1 =	sld [smem:$0x3F9D];
	s0 =	simm.s32 @p0 $0x1  }
0x13: {  	[smem:$0x3FB8] =	sst s0;
	s0 =	simm.s32 @!p1 $0x0  }
0x14: {  	s2 =	sld [smem:$0x3F9C];
	s0 =	simm.s32 @p1 $0x1  }
0x15: {  	[smem:$0x3FB9] =	sst s0;
	s0 =	simm.s32 @!p2 $0x0  }
0x16: {  	s3 =	sld [smem:$0x3FDB];
	s0 =	simm.s32 @p2 $0x1  }
0x17: {  	s4 =	simm.s32 $0x1BF5;
	[smem:$0x3FBB] =	sst s0  }
0x18: {  	s0 =	sld [smem:$0x3F9E];
	_ =	swait.ge [sflag:s4], $0x0  }
0x19: {  	s7 =	sld [smem:$0x3F9F]  }
0x1a: {  	s8 =	sadd.s32 $0xFFFFE003, lr  }
0x1b: {  	s9 =	sadd.s32 $0xFFFFFEF7, lr;
	s5 =	simm.s32 $0xFFFFFFFF;
	p2 =	slt.u32 s8, $0xFFFFF086  }
0x1c: {  	p1 =	slt.u32 s9, $0xF7A;
	s5 =	simm.s32 @!p2 $0x0  }
0x1d: {  	s5 =	simm.s32 @p1 $0x1;
	p0 =	seq.s32 s7, s2  }
0x1e: {  	s7 =	smul.u32 @!p0 $0xF7A, s2;
	p2 =	seq.s32 @!p0 s5, $0x0  }
0x1f: {  	s9 =	smul.u32 $0xF7A, s1;
	s8 =	simm.s32 @!p0 $0x1BF5;
	p2 =	por !p2, p0  }
0x20: {  	[sflag:s8] =	ssyncset.s32 @!p0 $0xFFFFF086;
	s6 =	sadd.s32 @!p0 s3, s7;
	s7 =	simm.s32 @!p0 $0x108  }
0x21: {  	s3 =	sadd.s32 s3, s9;
	s6 =	sadd.s32 @!p0 $0x88, s6;
	s7 =	simm.s32 @p2 $0x1082  }
0x22: {  	[simem:s7], [sflag:s8] =	dma.local @!p0 [hbm:s6], $0xF7A  }
0x23: {  	s9 =	sor.u32 $0xD0000000, s2;
	s6 =	simm.s32 $0x108;
	_ =	swait.ge @!p0 [sflag:s8], $0x0  }
0x24: {  	s3 =	sadd.s32 $0x88, s3;
	s6 =	simm.s32 @!p1 $0x1082;
	[sflag:s4] =	ssyncset.s32 $0xFFFFF086  }
0x25: {  	[simem:s6], [sflag:s4] =	dma.local [hbm:s3], $0xF7A  }
0x26: {  	[smem:$0x3F9F] =	sst s1;
	(tag) =	ssettag s2;
	_ =	strace s9  }
0x27: {  	s1 =	sld [smem:$0x3FAF]  }
0x28: {  	s2 =	sld [smem:$0x3FB0]  }
0x29: {  	s4 =	sld [smem:$0x3FB2]  }
0x2a: {  	p0 =	seq.s32 s5, $0x0;
	s5 =	sld [smem:$0x3FB3]  }
0x2b: {  	s6 =	sld [smem:$0x3FB4]  }
0x2c: {  	s7 =	sld [smem:$0x3FB5]  }
0x2d: {  	s3 =	simm.s32 $0x108;
	s8 =	sld [smem:$0x3FB6]  }
0x2e: {  	s3 =	simm.s32 @!p0 $0x1082;
	s9 =	sld [smem:$0x3FB7]  }
0x2f: {  	lr =	sadd.s32 s0, s3;
	s0 =	sld [smem:$0x3FAE]  }
0x30: {  	s3 =	sld [smem:$0x3FB1]  }
0x31: {  	[smem:$0x3FBA] =	sst s10  }
0x32: {  	s10 =	sld [smem:$0x3FB8];
	_ =	sdelay $0x3  }
0x33: {  	p0 =	seq.s32 s10, $0x1;
	s10 =	sld [smem:$0x3FBA];
	_ =	sdelay $0x3  }
0x34: {  	[smem:$0x3FBA] =	sst s10  }
0x35: {  	s10 =	sld [smem:$0x3FB9];
	_ =	sdelay $0x3  }
0x36: {  	p1 =	seq.s32 s10, $0x1;
	s10 =	sld [smem:$0x3FBA];
	_ =	sdelay $0x3  }
0x37: {  	[smem:$0x3FBA] =	sst s10  }
0x38: {  	s10 =	sld [smem:$0x3FBB]  }
0x39: {  	_ = 	snop;
	(pc) =	sbr.ind lr, $3  }
0x3a: {  	_ = 	snop  }
0x3b: {  	_ = 	snop  }
0x3c: {  	p2 =	seq.s32 s10, $0x1;
	s10 =	sld [smem:$0x3FBA]  }
0x3d: {  	_ =	shalt  }
0x3e: {  	_ =	shalt  }
0x3f: {  	_ =	shalt  }
0x40: {  	_ =	shalt  }
0x41: {  	_ =	shalt  }
0x42: {  	_ =	shalt  }
0x43: {  	_ =	shalt  }
0x44: {  	_ =	shalt  }
0x45: {  	_ =	shalt  }
0x46: {  	_ =	shalt  }
0x47: {  	_ =	shalt  }
0x48: {  	_ =	shalt  }
0x49: {  	_ =	shalt  }
0x4a: {  	_ =	shalt  }
0x4b: {  	_ =	shalt  }
0x4c: {  	_ =	shalt  }
0x4d: {  	_ =	shalt  }
0x4e: {  	_ =	shalt  }
0x4f: {  	_ =	shalt  }
0x50: {  	_ =	shalt  }
0x51: {  	_ =	shalt  }
0x52: {  	_ =	shalt  }
0x53: {  	_ =	shalt  }
0x54: {  	_ =	shalt  }
0x55: {  	_ =	shalt  }
0x56: {  	_ =	shalt  }
0x57: {  	_ =	shalt  }
0x58: {  	_ =	shalt  }
0x59: {  	_ =	shalt  }
0x5a: {  	_ =	shalt  }
0x5b: {  	_ =	shalt  }
0x5c: {  	_ =	shalt  }
0x5d: {  	_ =	shalt  }
0x5e: {  	_ =	shalt  }
0x5f: {  	_ =	shalt  }
0x60: {  	_ =	shalt  }
0x61: {  	_ =	shalt  }
0x62: {  	_ =	shalt  }
0x63: {  	_ =	shalt  }
0x64: {  	_ =	shalt  }
0x65: {  	_ =	shalt  }
0x66: {  	_ =	shalt  }
0x67: {  	_ =	shalt  }
0x68: {  	_ =	shalt  }
0x69: {  	_ =	shalt  }
0x6a: {  	_ =	shalt  }
0x6b: {  	_ =	shalt  }
0x6c: {  	_ =	shalt  }
0x6d: {  	_ =	shalt  }
0x6e: {  	_ =	shalt  }
0x6f: {  	_ =	shalt  }
0x70: {  	_ =	shalt  }
0x71: {  	_ =	shalt  }
0x72: {  	_ =	shalt  }
0x73: {  	_ =	shalt  }
0x74: {  	_ =	shalt  }
0x75: {  	_ =	shalt  }
0x76: {  	_ =	shalt  }
0x77: {  	_ =	shalt  }
0x78: {  	_ =	shalt  }
0x79: {  	_ =	shalt  }
0x7a: {  	_ =	shalt  }
0x7b: {  	_ =	shalt  }
0x7c: {  	_ =	shalt  }
0x7d: {  	_ =	shalt  }
0x7e: {  	_ =	shalt  }
0x7f: {  	_ =	shalt  }
0x80: {  	_ =	shalt  }
0x81: {  	_ =	shalt  }
0x82: {  	_ =	shalt  }
0x83: {  	_ =	shalt  }
0x84: {  	_ =	shalt  }
0x85: {  	_ =	shalt  }
0x86: {  	_ =	shalt  }
0x87: {  	_ =	shalt  }
.Lfunc_end0:
.L_simem_size_0:
called_computation_lowered:
.L_overlay_start_0:
0x88: {  	s2 =	sld [smem:$0x3FD9]  }
0x89: {  	s3 =	sld [smem:$0x3FFE];
	_ =	sdelay $0x1  }
0x8a: {  	s1 =	srdreg.scid  }
0x8b: {  	s0 =	sand.u32 $0x1, s1  }
0x8c: {  	s14 =	sshll.u32 s0, $0xA;
	s2 =	sadd.s32 s3, s2  }
0x8d: {  	s2 =	sadd.s32 s2, s14  }
0x8e: {  	[smem:$0x3FC6] =	sst s2  }
0x8f: {  	_ = 	snop  }
0x90: {  	s2 =	sld [smem:$0x3FD0];
	_ =	sdelay $0x2  }
0x91: {  	s15 =	simm.s32 $0xA;
	s4 =	simm.s32 $0x10  }
0x92: {  	[smem:s4], [sflag:s15] =	dma.local [hbm:s2], $0x1  }
0x93: {  	_ =	swait.eq [sflag:s15], $0x1  }
0x94: {  	[sflag:s15] =	ssyncset.done $0x0  }
0x95: {  	[sflag:s15] =	ssyncadd.s32 $0xFFFFFFFF  }
0x96: {  	s16 =	sld [smem:$0x10];
	(tm) =	ssettm $0x1  }
0x97: {  	s17 =	sld [smem:$0x3FFB];
	_ =	sdelay $0x3  }
0x98: {  	_ =	strace s17  }
0x99: {  	s3 =	sld [smem:$0x3FFC];
	_ =	sdelay $0x3  }
0x9a: {  	_ =	strace s3  }
0x9b: {  	s3 =	sld [smem:$0x3FFD];
	_ =	sdelay $0x3  }
0x9c: {  	_ =	strace s3  }
0x9d: {  	_ =	strace $0x8FFFFFFF  }
0x9e: {  	s18 =	sld [smem:$0x3FDB];
	_ =	sdelay $0x1  }
0x9f: {  	s19 =	simm.s32 $_scs_section_size  }
0xa0: {  	s5 =	simm.s32 $_size__tile_overlayer_lowered;
	s6 =	simm.s32 $_tile_overlayer_lowered  }
0xa1: {  	s22 =	simm.s32 $0x1BFF;
	s21 =	sshll.u32 s6, $0x1;
	s3 =	sadd.s32 s19, s18  }
0xa2: {  	s7 =	simm.s32 $0x0;
	s20 =	sshll.u32 s5, $0x1;
	s5 =	sadd.s32 s21, s3  }
0xa3: {  	[timem:s7], [sflag:s22] =	dma.local [hbm:s5], s20  }
0xa4: {  	_ =	swait.ge [sflag:s22], s20  }
0xa5: {  	s4 =	ssub.s32 $0x0, s20;
	[sflag:s22] =	ssyncset.done $0x0  }
0xa6: {  	[sflag:s22] =	ssyncadd.s32 s4;
	_ =	sdelay $0x1  }
0xa7: {  	s23 =	simm.s32 $0x1B8B  }
0xa8: {  	_ =	swait.ge [sflag:s23], $0x1  }
0xa9: {  	[sflag:s23] =	ssyncset.done $0x0  }
0xaa: {  	s25 =	simm.s32 $0x1B8E;
	s24 =	sld [smem:$0x3FFE];
	[sflag:s23] =	ssyncadd.s32 $0xFFFFFFFF  }
0xab: {  	s26 =	simm.s32 $execute0_lowered;
	[smem:$0x3FD2] =	sst s25  }
0xac: {  	s5 =	sshll.u32 s26, $0x1;
	_ =	strace $0x80000046;
	[dreg:$0x1] =	wrdreg $0xFFFFFFFF  }
0xad: {  	s28 =	simm.s32 $_size_execute0_lowered;
	s3 =	sadd.s32 s3, s5;
	[dreg:$0x0] =	wrdreg $0x0  }
0xae: {  	s5 =	sshll.u32 s28, $0x1;
	[dreg:$0x2] =	wrdreg s3  }
0xaf: {  	[dreg:$0x3] =	wrdreg s5  }
0xb0: {  	[dreg:$0x4] =	wrdreg $0xC0  }
0xb1: {  	_ =	task [dreg:s7], $0x5FFFF  }
0xb2: {  	[dreg:$0x1] =	wrdreg $0xFFFFFFFF  }
0xb3: {  	[dreg:$0x0] =	wrdreg $0x60  }
0xb4: {  	[dreg:$0x2] =	wrdreg s16  }
0xb5: {  	[dreg:$0x3] =	wrdreg s24  }
0xb6: {  	[dreg:$0x4] =	wrdreg $0x9  }
0xb7: {  	_ =	task.clear_ibuf [dreg:s7], $0x5FFFF;
	_ =	strace $0x90000046  }
0xb8: {  	s29 =	simm.s32 $0x9;
	_ =	strace $0x80000048  }
0xb9: {  	_ =	swait.ge [sflag:s29], $0x1  }
0xba: {  	[sflag:s29] =	ssyncadd.s32 $0xFFFFFFFF  }
0xbb: {  	_ =	strace $0x90000048  }
0xbc: {  	_ =	sfence  }
0xbd: {  	s30 =	sld [smem:$0x0];
	_ =	sdelay $0x2  }
0xbe: {  	s31 =	sshll.u32 s1, $0xD;
	s1 =	sshrl.u32 s1, $0x2  }
0xbf: {  	s3 =	sand.u32 $0x4000, s31;
	s1 =	sadd.s32 s1, s30  }
0xc0: {  	s0 =	sor.u32 s3, s0;
	s1 =	sshll.u32 s1, $0x11  }
0xc1: {  	s0 =	sor.u32 s1, s0  }
0xc2: {  	s0 =	sadd.s32 $0x8F2B, s0  }
0xc3: {  	[sflag:s0] =	ssyncadd.remote.s32 $0x1  }
0xc4: {  	_ =	sfence.sel $0xFFFF  }
0xc5: {  	[dreg:$0x0] =	wrdreg $0xFFFFFFFF;
	(pc) =	sbr.abs _section_cstart, $3  }
0xc6: {  	[dreg:$0x1] =	wrdreg $0xFFFFFFFF  }
0xc7: {  	_ =	task.clear_ibuf [dreg:s7], $0x2FFFF;
	_ =	strace $0x9FFFFFFF  }
0xc8: {  	(tm) =	ssettm $0x7FFFFFFF  }
0xc9: {  	_ =	shalt  }
tec
execute0_lowered:
.L_overlay_start_1:
0x0: {  	(tag) =	ssettag $0x1  }
0x1: {  	s3 =	rddreg [dreg:$0x0]  }
0x2: {  	s1 =	srdreg.scid;
	s0 =	stileid.u32  }
0x3: {  	s4 =	rddreg [dreg:$0x1];
	s2 =	simm.s32 $0x0;
	s12 =	simm.s32 $0x0  }
0x4: {  	s5 =	sand.u32 $0x1, s1;
	s6 =	sshll.u32 s0, $0x1;
	s1 =	rddreg [dreg:$0x2]  }
0x5: {  	[smem:$0x7FF] =	sst s2;
	s8 =	sshrl.u32 s0, $0x2;
	s6 =	sor.u32 s5, s6  }
0x6: {  	_ =	strace $0x80000047;
	s10 =	smul.u32 $0x18000, s8;
	s5 =	ssub.s32 $0x2, s5  }
0x7: {  	s8 =	simm.s32 $0x1;
	s7 =	smul.u32 $0x18, s6;
	s9 =	sshll.u32 s6, $0x8  }
0x8: {  	s6 =	smul.u32 $0x600, s6;
	s31 =	sshrl.u32 s5, $0x1;
	s30 =	sadd.s32 s9, s4  }
0x9: {  	s11 =	sshrl.u32 s10, $0x3;
	s9 =	ssub.s32 s5, s31;
	v0 =	vmov s10;
	s10 =	simm.s32 $0x18800  }
0xa: {  	s7 =	sadd.s32 s7, s4;
	s6 =	sadd.s32 s6, s4;
	s4 =	sadd.s32 $0x101200, s30  }
0xb: {  	s3 =	sadd.s32 s3, s11;
	s11 =	simm.s32 $0x18900;
	s5 =	sadd.s32 $0x100E00, s7  }
0xc: {  	v1 =	vlaneseq.u32;
	s6 =	sadd.s32 $0xE00, s6;
	s7 =	smax.u32 s9, $0x1;
	s9 =	simm.s32 $0x18000  }
.LBB2_1:
0xd: {  	[tilespmem:s2], [sflag:$0x1] =	stream.linear.gather [hbm4b:s3+s2], $0x18000, $0x38;
	[tilespmem:$0x1B900] =	vst v63  }
0xe: {  	_ =	swait.ge [sflag:s8], $0x18000  }
0xf: {  	[sflag:s8] =	ssyncset.done $0x0  }
0x10: {  	[sflag:s8] =	ssyncadd.s32 $0xFFFE8000  }
0x11: {  	v2 =	vor.u32 s2, v1;
	[tilespmem:s9], [sflag:$0x1] =	stream.linear.gather [hbm4b:s4+s2], $0x800, $0x38;
	[tilespmem:$0x1B900] =	vst v63  }
0x12: {  	v3 =	vmul.u32 $0xAAAB, v2;
	_ =	swait.ge [sflag:s8], $0x800  }
0x13: {  	[sflag:s8] =	ssyncset.done $0x0  }
0x14: {  	v4 =	vshrl.u32 v3, $0x12;
	[sflag:s8] =	ssyncadd.s32 $0xFFFFF800  }
0x15: {  	[tilespmem:s10], [sflag:$0x1] =	stream.linear.gather [hbm4b:s5+s2], $0xC0, $0x38;
	[tilespmem:$0x1B900] =	vst v63  }
0x16: {  	_ =	swait.ge [sflag:s8], $0xC0  }
0x17: {  	[sflag:s8] =	ssyncset.done $0x0  }
0x18: {  	[sflag:s8] =	ssyncadd.s32 $0xFFFFFF40  }
0x19: {  	v5 =	vld.idx.msk [tilespmem:v4+s9+$0x0], $0xffff  }
0x1a: {  	v4 =	vmul.u32 $0xFFFFFFFA, v4;
	_ =	sdelay $0x1  }
0x1b: {  	v3 =	vshrl.u32 v3, $0x17;
	v2 =	vadd.s32 v2, v4  }
0x1c: {  	v3 =	vmul.u32 $0x3, v3;
	v4 =	vadd.s32 $0xFFFFFFFD, v2  }
0x1d: {  	vm0 =	vlt.s32 v2, $0x3;
	v4 =	vshrl.u32 v4, $0x1F;
	v5 =	vmul.u32 $0x6, v5  }
0x1e: {  	v6 =	vnsel vm0, $0x0, v2;
	v7 =	vshll.u32 v4, $0x1  }
0x1f: {  	v3 =	vadd.s32 v3, v6;
	v7 =	vxor.u32 $0x2, v7;
	v2 =	vadd.s32 v2, v5  }
0x20: {  	v3 =	vadd.s32 v7, v3;
	v5 =	vsub.s32 v2, v0  }
0x21: {  	v2 =	vand.u32 $0x7F, v2;
	v5 =	vand.u32 $0xFFFFFF80, v5  }
0x22: {  	v2 =	vor.u32 v2, v5;
	_ =	sdelay $0x2  }
0x23: {  	v3 =	vld.idx.msk [tilespmem:v3+s10+$0x0], $0xffff  }
0x24: {  	s13 =	simm.s32 $0x10  }
0x25: {  	v5 =	vor.u32 s13, v1;
	v2 =	vld.idx.msk [tilespmem:v2+s2+$0x0], $0xffff  }
0x26: {  	v4 =	vcvt.s32.f32 v4;
	v6 =	vmul.u32 $0xAAAB, v5;
	_ =	sdelay $0x1  }
0x27: {  	v7 =	vshrl.u32 v6, $0x12;
	v3 =	vmul.f32 v4, v3;
	_ =	sdelay $0x1  }
0x28: {  	v2 =	vsub.f32 v2, v3;
	_ =	sdelay $0x1  }
0x29: {  	[tilespmem:s11+$0x0] =	vst v2  }
0x2a: {  	v2 =	vld.idx.msk [tilespmem:v7+s9+$0x0], $0xffff  }
0x2b: {  	v3 =	vmul.u32 $0xFFFFFFFA, v7;
	_ =	sdelay $0x1  }
0x2c: {  	v4 =	vshrl.u32 v6, $0x17;
	v3 =	vadd.s32 v5, v3  }
0x2d: {  	v4 =	vmul.u32 $0x3, v4;
	v5 =	vadd.s32 $0xFFFFFFFD, v3  }
0x2e: {  	vm15 =	vlt.s32 v3, $0x3;
	v6 =	vmul.u32 $0x6, v2;
	v2 =	vshrl.u32 v5, $0x1F  }
0x2f: {  	v5 =	vnsel vm15, $0x0, v3;
	v7 =	vshll.u32 v2, $0x1  }
0x30: {  	v4 =	vadd.s32 v4, v5;
	v3 =	vadd.s32 v3, v6;
	v6 =	vxor.u32 $0x2, v7  }
0x31: {  	v5 =	vsub.s32 v3, v0;
	v4 =	vadd.s32 v6, v4  }
0x32: {  	v3 =	vand.u32 $0x7F, v3;
	v5 =	vand.u32 $0xFFFFFF80, v5  }
0x33: {  	v3 =	vor.u32 v3, v5;
	_ =	sdelay $0x2  }
0x34: {  	v4 =	vld.idx.msk [tilespmem:v4+s10+$0x0], $0xffff  }
0x35: {  	s31 =	simm.s32 $0x20  }
0x36: {  	s14 =	simm.s32 $0x30;
	s13 =	simm.s32 $0x18900;
	v5 =	vld.idx.msk [tilespmem:v3+s2+$0x0], $0xffff;
	v3 =	vor.u32 s31, v1  }
.LBB2_2:
0x37: {  	p0 =	sne.s32 s14, $0x2FF0;
	v6 =	vmul.u32 $0xAAAB, v3;
	v2 =	vcvt.s32.f32 v2;
	_ =	sdelay $0x1  }
0x38: {  	v7 =	vshrl.u32 v6, $0x12;
	v2 =	vmul.f32 v2, v4;
	_ =	sdelay $0x1  }
0x39: {  	v2 =	vsub.f32 v5, v2  }
0x3a: {  	s13 =	sadd.s32 $0x10, s13  }
0x3b: {  	[tilespmem:s13+$0x0] =	vst v2  }
0x3c: {  	v4 =	vld.idx.msk [tilespmem:v7+s9+$0x0], $0xffff;
	_ =	sdelay $0x1  }
0x3d: {  	v2 =	vmul.u32 $0xFFFFFFFA, v7;
	_ =	sdelay $0x1  }
0x3e: {  	v3 =	vadd.s32 v3, v2;
	v2 =	vshrl.u32 v6, $0x17  }
0x3f: {  	v5 =	vadd.s32 $0xFFFFFFFD, v3;
	v6 =	vmul.u32 $0x3, v2  }
0x40: {  	vm0 =	vlt.s32 v3, $0x3;
	v2 =	vshrl.u32 v5, $0x1F;
	v4 =	vmul.u32 $0x6, v4  }
0x41: {  	v5 =	vnsel vm0, $0x0, v3;
	v7 =	vshll.u32 v2, $0x1  }
0x42: {  	v5 =	vadd.s32 v6, v5;
	v7 =	vxor.u32 $0x2, v7;
	v3 =	vadd.s32 v3, v4  }
0x43: {  	v4 =	vadd.s32 v7, v5;
	v5 =	vsub.s32 v3, v0  }
0x44: {  	v3 =	vand.u32 $0x7F, v3;
	v5 =	vand.u32 $0xFFFFFF80, v5  }
0x45: {  	v3 =	vor.u32 v3, v5;
	_ =	sdelay $0x1  }
.Ltmp0:
0x46: {  	(pc) =	sbr.rel @p0 .LBB2_2-.Ltmp0, $3  }
0x47: {  	v4 =	vld.idx.msk [tilespmem:v4+s10+$0x0], $0xffff;
	_ =	sdelay $0x1  }
0x48: {  	v5 =	vld.idx.msk [tilespmem:v3+s2+$0x0], $0xffff  }
0x49: {  	v3 =	vor.u32 s14, v1;
	s14 =	sadd.s32 $0x10, s14  }
0x4a: {  	v6 =	vmul.u32 $0xAAAB, v3;
	v2 =	vcvt.s32.f32 v2;
	_ =	sdelay $0x1  }
0x4b: {  	v7 =	vshrl.u32 v6, $0x12;
	v2 =	vmul.f32 v2, v4;
	_ =	sdelay $0x1  }
0x4c: {  	v2 =	vsub.f32 v5, v2  }
0x4d: {  	s13 =	sadd.s32 $0x10, s13  }
0x4e: {  	[tilespmem:s13+$0x0] =	vst v2  }
0x4f: {  	v2 =	vld.idx.msk [tilespmem:v7+s9+$0x0], $0xffff  }
0x50: {  	v57 =	vmul.u32 $0xFFFFFFFA, v7;
	_ =	sdelay $0x1  }
0x51: {  	v58 =	vshrl.u32 v6, $0x17;
	v3 =	vadd.s32 v3, v57  }
0x52: {  	v4 =	vmul.u32 $0x3, v58;
	v59 =	vadd.s32 $0xFFFFFFFD, v3  }
0x53: {  	vm0 =	vlt.s32 v3, $0x3;
	v5 =	vshrl.u32 v59, $0x1F;
	v2 =	vmul.u32 $0x6, v2  }
0x54: {  	v60 =	vnsel vm0, $0x0, v3;
	v61 =	vshll.u32 v5, $0x1  }
0x55: {  	v4 =	vadd.s32 v4, v60;
	v7 =	vxor.u32 $0x2, v61;
	v2 =	vadd.s32 v3, v2  }
0x56: {  	v3 =	vadd.s32 v7, v4;
	v62 =	vsub.s32 v2, v0  }
0x57: {  	v2 =	vand.u32 $0x7F, v2;
	v4 =	vand.u32 $0xFFFFFF80, v62  }
0x58: {  	v2 =	vor.u32 v2, v4;
	_ =	sdelay $0x2  }
0x59: {  	v3 =	vld.idx.msk [tilespmem:v3+s10+$0x0], $0xffff;
	_ =	sdelay $0x1  }
0x5a: {  	v2 =	vld.idx.msk [tilespmem:v2+s2+$0x0], $0xffff  }
0x5b: {  	v63 =	vcvt.s32.f32 v5;
	_ =	sdelay $0x1  }
0x5c: {  	v3 =	vmul.f32 v63, v3;
	_ =	sdelay $0x1  }
0x5d: {  	s12 =	sadd.s32 $0x1, s12;
	v2 =	vsub.f32 v2, v3  }
0x5e: {  	p0 =	sne.s32 s12, s7;
	s13 =	sadd.s32 $0x10, s13  }
.Ltmp1:
0x5f: {  	[tilespmem:s13+$0x0] =	vst v2;
	(pc) =	sbr.rel @p0 .LBB2_1-.Ltmp1, $4  }
0x60: {  	[hbm4b:s6+s2] =	stream.linear.scatter [tilespmem:s11], [sflag:$0x1], $0x3000, $0x38;
	[tilespmem:$0x1B900] =	vst v63  }
0x61: {  	_ =	swait.ge [sflag:s8], $0x3000  }
0x62: {  	[sflag:s8] =	ssyncset.done $0x0  }
0x63: {  	[sflag:s8] =	ssyncadd.s32 $0xFFFFD000  }
0x64: {  	_ =	sfence.sel $0x180000  }
0x65: {  	[bflag:$0x0] =	sbarrier.arrive $0xFFFF  }
0x66: {  	p0 =	sne.s32 s0, $0x0;
	_ =	strace $0x90000047  }
0x67: {  	s0 =	sadd.s32 @!p0 $0x100000, s1;
	[bflag:$0x2] =	sbarrier.arrive $0xFFFF  }
0x68: {  	[sflag:s0] =	ssyncadd.tile.s32 @!p0 $0x1;
	_ =	shalt  }
.Lfunc_end2:
_tile_overlayer_lowered:
.L_overlay_start_2:
0x69: {  	(tag) =	ssettag $0x2  }
0x6a: {  	s0 =	rddreg [dreg:$0x0];
	s2 =	stileid.u32  }
0x6b: {  	s1 =	rddreg [dreg:$0x1];
	p0 =	sne.s32 s2, $0x0  }
0x6c: {  	s3 =	rddreg [dreg:$0x2];
	[bflag:$0x3] =	sbarrier.arrive $0xFFFF;
	s2 =	simm.s32 @!p0 $0x1C01  }
0x6d: {  	[timem:s3], [sflag:s2] =	dma.local @!p0 [hbm:s0], s1  }
0x6e: {  	s0 =	simm.s32 @!p0 $0x1  }
0x6f: {  	_ =	swait.ge @!p0 [sflag:s0], s1  }
0x70: {  	s1 =	ssub.s32 @!p0 $0x0, s1;
	[sflag:s0] =	ssyncset.done @!p0 $0x0  }
0x71: {  	[sflag:s0] =	ssyncadd.s32 @!p0 s1  }
0x72: {  	[bflag:$0x3] =	sbarrier.arrive $0xFFFF  }
0x73: {  	_ =	shalt  }

</sc_bundles>
